<compile_context>
chip_gen: v7x
topology: tpu7x:2x2x1
jax: 0.10.2.dev20260603
libtpu: 0.0.44.dev20260713+nightly
codegen_flags: <defaults>
</compile_context>

<pallas_src>
import functools

import jax
import jax.numpy as jnp
from jax import lax
from jax.experimental import pallas as pl
from jax.experimental.pallas import tpu as pltpu
from jax.experimental.pallas import tpu_sc as plsc

DIM = 128
SC_CHUNK = 128


SC_GROUP = 5


def _build_sc_gather(total_pad, n_workers, table_rows):
  per_w = total_pad // n_workers
  group_rows = SC_GROUP * SC_CHUNK
  groups = per_w // group_rows
  mesh = plsc.VectorSubcoreMesh(core_axis_name="c", subcore_axis_name="s")
  info = plsc.get_sparse_core_info()
  nc = info.num_cores

  @functools.partial(
      pl.kernel,
      mesh=mesh,
      out_type=jax.ShapeDtypeStruct((total_pad, DIM), jnp.float32),
      scratch_types=[
          pltpu.VMEM((group_rows,), jnp.int32),
      ] + [pltpu.VMEM((SC_CHUNK, DIM), jnp.float32)] * SC_GROUP + [
          pltpu.SemaphoreType.DMA,
          pltpu.SemaphoreType.DMA,
      ],
  )
  def sc_gather(table_hbm, idx_hbm, out_hbm, idx_v, *rest):
    rows = rest[:SC_GROUP]
    gsem, wsem = rest[SC_GROUP], rest[SC_GROUP + 1]
    wid = lax.axis_index("s") * nc + lax.axis_index("c")

    def drain_writebacks(group_base):
      for b in range(SC_GROUP):
        pltpu.make_async_copy(
            rows[b],
            out_hbm.at[pl.ds(group_base + b * SC_CHUNK, SC_CHUNK)],
            wsem).wait()

    def body(g, carry):
      base = wid * per_w + g * group_rows
      pltpu.sync_copy(idx_hbm.at[pl.ds(base, group_rows)], idx_v)

      @pl.when(g > 0)
      def _():
        drain_writebacks(base - group_rows)

      handles = []
      for b in range(SC_GROUP):
        handles.append(
            pltpu.async_copy(
                table_hbm.at[idx_v.at[pl.ds(b * SC_CHUNK, SC_CHUNK)]],
                rows[b], gsem))
      for b in range(SC_GROUP):
        handles[b].wait()
        pltpu.async_copy(rows[b],
                         out_hbm.at[pl.ds(base + b * SC_CHUNK, SC_CHUNK)],
                         wsem)
      return carry

    lax.fori_loop(0, groups, body, 0)
    drain_writebacks(wid * per_w + (groups - 1) * group_rows)

  return sc_gather


def _leaky(x):
  return jnp.where(x >= 0, x, 0.2 * x)


def _mp_body(*refs, n_pos):
  pos_refs = refs[:n_pos]
  x_ref, wa_ref, w_ref, mpw_ref, mpb_ref, h_ref, sem_ref = refs[n_pos:]
  i = pl.program_id(0)

  pooled = pos_refs[0][...]
  for r in pos_refs[1:]:
    pooled = jnp.maximum(pooled, r[...])

  wa = wa_ref[...]
  s_p = jnp.sum(pooled * wa[:, None, :], axis=-1)
  s_h = jnp.sum(x_ref[...] * wa, axis=-1, keepdims=True)
  e = _leaky(s_p + s_h)
  m = jnp.max(e, axis=-1, keepdims=True)
  ex = jnp.exp(e - m)
  alpha = ex / jnp.sum(ex, axis=-1, keepdims=True)

  ctx = jnp.sum(pooled * alpha[:, :, None], axis=1)
  h = lax.dot_general(ctx, w_ref[...], (((1,), (1,)), ((), ())),
                      preferred_element_type=jnp.float32)
  h_ref[...] = h

  t = jnp.tanh(
      lax.dot_general(h, mpw_ref[...], (((1,), (1,)), ((), ())),
                      preferred_element_type=jnp.float32) + mpb_ref[...])
  ts = jnp.sum(t, axis=0, keepdims=True)

  @pl.when(i == 0)
  def _():
    sem_ref[...] = jnp.zeros_like(sem_ref)

  sem_ref[...] += jnp.broadcast_to(ts, sem_ref.shape)


def _run_metapath(g3, offs, x_anchor, wvec, w, mpw, mpb, n, blk):
  n_pos = len(offs)
  nblk = n // blk
  in_specs = []
  for off in offs:
    in_specs.append(
        pl.BlockSpec((blk, g3.shape[1], DIM),
                     lambda i, o=off: (o * nblk + i, 0, 0)))
  in_specs += [
      pl.BlockSpec((blk, DIM), lambda i: (i, 0)),
      pl.BlockSpec((1, DIM), lambda i: (0, 0)),
      pl.BlockSpec((DIM, DIM), lambda i: (0, 0)),
      pl.BlockSpec((DIM, DIM), lambda i: (0, 0)),
      pl.BlockSpec((1, DIM), lambda i: (0, 0)),
  ]
  h, sem = pl.pallas_call(
      functools.partial(_mp_body, n_pos=n_pos),
      grid=(nblk,),
      in_specs=in_specs,
      out_specs=[
          pl.BlockSpec((blk, DIM), lambda i: (i, 0)),
          pl.BlockSpec((8, DIM), lambda i: (0, 0)),
      ],
      out_shape=[
          jax.ShapeDtypeStruct((n, DIM), jnp.float32),
          jax.ShapeDtypeStruct((8, DIM), jnp.float32),
      ],
  )(g3, *([g3] * (n_pos - 1)), x_anchor, wvec, w, mpw, mpb)
  return h, sem[0]


def _combine_body(h0, h1, h2, h3, h4, h5, bvec, od, oi, og):
  b = bvec[...]
  od[...] = h0[...] * b[0:1, :] + h1[...] * b[1:2, :]
  oi[...] = h2[...] * b[2:3, :] + h3[...] * b[3:4, :] + h4[...] * b[4:5, :]
  og[...] = h5[...] * b[5:6, :]


def kernel(X_drug, X_dis, X_gene, insts_rdr, insts_rdgdr, insts_dgd,
           insts_drd, insts_drrd, insts_gdrdg, W_rdr, a_rdr, W_rdgdr,
           a_rdgdr, W_dgd, a_dgd, W_drd, a_drd, W_drrd, a_drrd, W_gdrdg,
           a_gdrdg, mpW_drug, mpb_drug, mpq_drug, mpW_dis, mpb_dis,
           mpq_dis, mpW_gene, mpb_gene, mpq_gene):
  n = X_drug.shape[0]
  k = insts_rdr.shape[1]
  xs = [X_drug, X_dis, X_gene]

  paths = [
      (insts_rdr, (0, 1, 0), W_rdr, a_rdr, 0, mpW_drug, mpb_drug),
      (insts_rdgdr, (0, 1, 2, 1, 0), W_rdgdr, a_rdgdr, 0, mpW_drug, mpb_drug),
      (insts_dgd, (1, 2, 1), W_dgd, a_dgd, 1, mpW_dis, mpb_dis),
      (insts_drd, (1, 0, 1), W_drd, a_drd, 1, mpW_dis, mpb_dis),
      (insts_drrd, (1, 0, 0, 1), W_drrd, a_drrd, 1, mpW_dis, mpb_dis),
      (insts_gdrdg, (2, 1, 0, 1, 2), W_gdrdg, a_gdrdg, 2, mpW_gene, mpb_gene),
  ]

  x_all = jnp.concatenate(xs, axis=0)

  idx_parts = []
  offs_per_path = []
  pos = 0
  for insts, tids, *_ in paths:
    offs = []
    for j, tid in enumerate(tids):
      idx_parts.append(
          (insts[:, :, j].astype(jnp.int32) + tid * n).reshape(-1))
      offs.append(pos)
      pos += 1
    offs_per_path.append(offs)
  total = pos * n * k

  n_workers = 32
  unit = n_workers * SC_CHUNK * SC_GROUP
  total_pad = total
  while total_pad % unit or total_pad % k:
    total_pad += unit - (total_pad % unit)
    if total_pad % k:
      total_pad += k - (total_pad % k)
  idx_all = jnp.concatenate(
      idx_parts + [jnp.zeros((total_pad - total,), jnp.int32)])

  gathered = _build_sc_gather(total_pad, n_workers,
                              x_all.shape[0])(x_all, idx_all)
  g3 = gathered.reshape(total_pad // k, k, DIM)

  blk = 80
  hs, sems = [], []
  for (insts, tids, w, a, anchor, mpw, mpb), offs in zip(paths,
                                                         offs_per_path):
    wvec = (a[0] @ w[0]).reshape(1, DIM)
    h, sem = _run_metapath(g3, offs, xs[anchor], wvec, w[0], mpw,
                           mpb.reshape(1, DIM), n, blk)
    hs.append(h)
    sems.append(sem / n)

  def betas(sem_list, q):
    sc = jnp.stack([jnp.sum(jnp.tanh(s) * q) for s in sem_list])
    return jax.nn.softmax(sc, axis=0)

  beta_drug = betas(sems[0:2], mpq_drug)
  beta_dis = betas(sems[2:5], mpq_dis)
  beta_gene = betas(sems[5:6], mpq_gene)

  bvec = jnp.broadcast_to(
      jnp.concatenate([beta_drug, beta_dis, beta_gene,
                       jnp.zeros((2,), jnp.float32)])[:, None],
      (8, DIM))

  nblk = n // blk
  h_specs = [pl.BlockSpec((blk, DIM), lambda i: (i, 0)) for _ in range(6)]
  out_spec = pl.BlockSpec((blk, DIM), lambda i: (i, 0))
  h_drug, h_dis, h_gene = pl.pallas_call(
      _combine_body,
      grid=(nblk,),
      in_specs=h_specs + [pl.BlockSpec((8, DIM), lambda i: (0, 0))],
      out_specs=[out_spec, out_spec, out_spec],
      out_shape=[jax.ShapeDtypeStruct((n, DIM), jnp.float32)] * 3,
  )(*hs, bvec)

  return (h_drug, h_dis, h_gene, beta_drug, beta_dis, beta_gene)

# --- scband reference (transcript-rebuilt; emitter-appended) ---
"""Pipeline reference for scband-meta-path-encoder-instance-88441966559844 (READ-ONLY COPY).

The authoritative reference and input builder live on the scoring server;
editing this copy changes nothing except your own understanding.
"""

import jax, jax.numpy as jnp
import numpy as np

N = 10000
DIM = 128
K = 20
NH = 1

def _leaky(x):
    return jnp.where(x >= 0, x, 0.2 * x)

def _instance_attn(h, inst_vecs, W, a):
    outs = []
    for k in range(W.shape[0]):
        hi = h @ W[k].T
        hv = inst_vecs @ W[k].T
        e = _leaky(jnp.einsum('nkd,d->nk', hv + hi[:, None, :], a[k]))
        alpha = jax.nn.softmax(e, axis=1)
        outs.append(jnp.einsum('nk,nkd->nd', alpha, hv))
    return jnp.mean(jnp.stack(outs, axis=0), axis=0)

def _pool(feats, idx):
    out = feats[0][idx[..., 0]]
    for j in range(1, idx.shape[-1]):
        out = jnp.maximum(out, feats[j][idx[..., j]])
    return out

def _mp_attn(H_list, W, b, q):
    sem = jnp.stack([jnp.mean(jnp.tanh(Hh @ W.T + b), axis=0) for Hh in H_list], axis=0)
    score = jnp.sum(jnp.tanh(sem) * q, axis=1)
    beta = jax.nn.softmax(score, axis=0)
    out = 0.0
    for i in range(len(H_list)):
        out = out + beta[i] * H_list[i]
    return out, beta

def setup_inputs(seed: int = 0):
    key = jax.random.key(seed)
    ks = jax.random.split(key, 40)
    inp = {}
    inp['X_drug'] = jax.random.normal(ks[0], (N, DIM), dtype=jnp.float32)
    inp['X_dis'] = jax.random.normal(ks[1], (N, DIM), dtype=jnp.float32)
    inp['X_gene'] = jax.random.normal(ks[2], (N, DIM), dtype=jnp.float32)
    inp['insts_rdr'] = jax.random.randint(ks[3], (N, K, 3), 0, N)
    inp['insts_rdgdr'] = jax.random.randint(ks[4], (N, K, 5), 0, N)
    inp['insts_dgd'] = jax.random.randint(ks[5], (N, K, 3), 0, N)
    inp['insts_drd'] = jax.random.randint(ks[6], (N, K, 3), 0, N)
    inp['insts_drrd'] = jax.random.randint(ks[7], (N, K, 4), 0, N)
    inp['insts_gdrdg'] = jax.random.randint(ks[8], (N, K, 5), 0, N)
    i = 9
    for name in ['rdr', 'rdgdr', 'dgd', 'drd', 'drrd', 'gdrdg']:
        inp['W_' + name] = jax.random.normal(ks[i], (NH, DIM, DIM), dtype=jnp.float32) * 0.05
        i += 1
        inp['a_' + name] = jax.random.normal(ks[i], (NH, DIM), dtype=jnp.float32) * 0.01
        i += 1
    for name in ['drug', 'dis', 'gene']:
        inp['mpW_' + name] = jax.random.normal(ks[i], (DIM, DIM), dtype=jnp.float32) * 0.05
        i += 1
        inp['mpb_' + name] = jnp.zeros((DIM,), dtype=jnp.float32)
        inp['mpq_' + name] = jax.random.normal(ks[i], (DIM,), dtype=jnp.float32) * 0.01
        i += 1
    return inp

def reference(X_drug, X_dis, X_gene, insts_rdr, insts_rdgdr, insts_dgd, insts_drd, insts_drrd, insts_gdrdg, W_rdr, a_rdr, W_rdgdr, a_rdgdr, W_dgd, a_dgd, W_drd, a_drd, W_drrd, a_drrd, W_gdrdg, a_gdrdg, mpW_drug, mpb_drug, mpq_drug, mpW_dis, mpb_dis, mpq_dis, mpW_gene, mpb_gene, mpq_gene):
    H_rdr = _instance_attn(X_drug, _pool([X_drug, X_dis, X_drug], insts_rdr), W_rdr, a_rdr)
    H_rdgdr = _instance_attn(X_drug, _pool([X_drug, X_dis, X_gene, X_dis, X_drug], insts_rdgdr), W_rdgdr, a_rdgdr)
    H_drug, beta_drug = _mp_attn([H_rdr, H_rdgdr], mpW_drug, mpb_drug, mpq_drug)
    H_dgd = _instance_attn(X_dis, _pool([X_dis, X_gene, X_dis], insts_dgd), W_dgd, a_dgd)
    H_drd = _instance_attn(X_dis, _pool([X_dis, X_drug, X_dis], insts_drd), W_drd, a_drd)
    H_drrd = _instance_attn(X_dis, _pool([X_dis, X_drug, X_drug, X_dis], insts_drrd), W_drrd, a_drrd)
    H_dis, beta_dis = _mp_attn([H_dgd, H_drd, H_drrd], mpW_dis, mpb_dis, mpq_dis)
    H_gdrdg = _instance_attn(X_gene, _pool([X_gene, X_dis, X_drug, X_dis, X_gene], insts_gdrdg), W_gdrdg, a_gdrdg)
    H_gene_m, beta_gene = _mp_attn([H_gdrdg], mpW_gene, mpb_gene, mpq_gene)
    return (H_drug, H_dis, H_gene_m, beta_drug, beta_dis, beta_gene)

if __name__ == "__main__":
    import jax
    _d = setup_inputs()
    print(jax.jit(kernel)(*tuple(_d.values())))

</pallas_src>

<mosaic_0001>
#map = affine_map<(d0, d1) -> (0, 0)>
#map1 = affine_map<(d0, d1) -> (0)>
module attributes {stable_mosaic.version = 14 : i64} {
  func.func @sc_gather(%arg0: i32, %arg1: i32, %arg2: memref<30000x128xf32, #tpu.memory_space<hbm>>, %arg3: memref<4608000xi32, #tpu.memory_space<hbm>>, %arg4: memref<4608000x128xf32, #tpu.memory_space<hbm>>, %arg5: memref<640xi32, #tpu.memory_space<vmem>>, %arg6: memref<128x128xf32, #tpu.memory_space<vmem>>, %arg7: memref<128x128xf32, #tpu.memory_space<vmem>>, %arg8: memref<128x128xf32, #tpu.memory_space<vmem>>, %arg9: memref<128x128xf32, #tpu.memory_space<vmem>>, %arg10: memref<128x128xf32, #tpu.memory_space<vmem>>, %arg11: memref<!tpu.dma_semaphore, #tpu.memory_space<semaphore_mem>>, %arg12: memref<!tpu.dma_semaphore, #tpu.memory_space<semaphore_mem>>) attributes {dimension_semantics = [#tpu.dimension_semantics<core_parallel>, #tpu.dimension_semantics<subcore_parallel>], iteration_bounds = array<i64: 2, 16>, scalar_prefetch = 0 : i64, scratch_operands = 8 : i64, tpu.core_type = #tpu.core_type<sc_vector_subcore>, window_params = [{transform_indices = #map}, {transform_indices = #map1}, {transform_indices = #map}]} {
    %mul3A = arith.constant 2 : i32
    %mul3A_0 = arith.muli %arg1, %mul3A : i32
    %add3A = arith.addi %mul3A_0, %arg0 : i32
    %scan3A = arith.constant 0 : i32
    %scan3A_1 = arith.constant 0 : i32
    %scan3A_2 = arith.constant 225 : i32
    %scan3A_3 = arith.addi %scan3A_1, %scan3A_2 : i32
    %scan3A_4 = arith.constant 1 : i32
    scf.for %scan3A_39 = %scan3A_1 to %scan3A_3 step %scan3A_4  : i32 {
      %mul3A_40 = arith.constant 144000 : i32
      %mul3A_41 = arith.muli %add3A, %mul3A_40 : i32
      %mul3A_42 = arith.constant 640 : i32
      %mul3A_43 = arith.muli %scan3A_39, %mul3A_42 : i32
      %add3A_44 = arith.addi %mul3A_41, %mul3A_43 : i32
      "tpu.region"() ({
        %run_scoped3A = tpu.sem_alloc : memref<!tpu.dma_semaphore, #tpu.memory_space<semaphore_mem>>
        %dma_start3A_126 = tpu.memref_slice %arg3[%add3A_44] : memref<4608000xi32, #tpu.memory_space<hbm>> -> memref<640xi32, #tpu.memory_space<hbm>>
        %dma_start3A_127 = tpu.memref_slice %arg3[%add3A_44] : memref<4608000xi32, #tpu.memory_space<hbm>> -> memref<640xi32, #tpu.memory_space<hbm>>
        tpu.enqueue_dma source(%dma_start3A_127 : memref<640xi32, #tpu.memory_space<hbm>>) target(%arg5 : memref<640xi32, #tpu.memory_space<vmem>>) target_semaphore(%run_scoped3A : memref<!tpu.dma_semaphore, #tpu.memory_space<semaphore_mem>>)
        %dma_wait3A_128 = tpu.memref_slice %arg3[%add3A_44] : memref<4608000xi32, #tpu.memory_space<hbm>> -> memref<640xi32, #tpu.memory_space<hbm>>
        %dma_wait3A_129 = tpu.memref_slice %arg3[%add3A_44] : memref<4608000xi32, #tpu.memory_space<hbm>> -> memref<640xi32, #tpu.memory_space<hbm>>
        tpu.wait_dma2 semaphore(%run_scoped3A : memref<!tpu.dma_semaphore, #tpu.memory_space<semaphore_mem>>) src(%dma_wait3A_129 : memref<640xi32, #tpu.memory_space<hbm>>) dst(%arg5 : memref<640xi32, #tpu.memory_space<vmem>>)
        tpu.yield
      }) : () -> ()
      %gt3A = arith.constant 0 : i32
      %gt3A_45 = arith.cmpi sgt, %scan3A_39, %gt3A : i32
      %convert_element_type3A = arith.extui %gt3A_45 : i1 to i32
      %cond3A = arith.constant 0 : i32
      %cond3A_46 = arith.cmpi ne, %convert_element_type3A, %cond3A : i32
      scf.if %cond3A_46 {
        %sub3A = arith.constant 640 : i32
        %sub3A_126 = arith.subi %add3A_44, %sub3A : i32
        %add3A_127 = arith.constant 0 : i32
        %add3A_128 = arith.addi %sub3A_126, %add3A_127 : i32
        %dma_wait3A_129 = arith.constant 0 : i32
        %dma_wait3A_130 = tpu.memref_slice %arg4[%add3A_128, %dma_wait3A_129] : memref<4608000x128xf32, #tpu.memory_space<hbm>> -> memref<128x128xf32, #tpu.memory_space<hbm>>
        %dma_wait3A_131 = arith.constant 0 : i32
        %dma_wait3A_132 = tpu.memref_slice %arg4[%add3A_128, %dma_wait3A_131] : memref<4608000x128xf32, #tpu.memory_space<hbm>> -> memref<128x128xf32, #tpu.memory_space<hbm>>
        tpu.wait_dma2 semaphore(%arg12 : memref<!tpu.dma_semaphore, #tpu.memory_space<semaphore_mem>>) src(%arg6 : memref<128x128xf32, #tpu.memory_space<vmem>>) dst(%dma_wait3A_132 : memref<128x128xf32, #tpu.memory_space<hbm>>)
        %add3A_133 = arith.constant 128 : i32
        %add3A_134 = arith.addi %sub3A_126, %add3A_133 : i32
        %dma_wait3A_135 = arith.constant 0 : i32
        %dma_wait3A_136 = tpu.memref_slice %arg4[%add3A_134, %dma_wait3A_135] : memref<4608000x128xf32, #tpu.memory_space<hbm>> -> memref<128x128xf32, #tpu.memory_space<hbm>>
        %dma_wait3A_137 = arith.constant 0 : i32
        %dma_wait3A_138 = tpu.memref_slice %arg4[%add3A_134, %dma_wait3A_137] : memref<4608000x128xf32, #tpu.memory_space<hbm>> -> memref<128x128xf32, #tpu.memory_space<hbm>>
        tpu.wait_dma2 semaphore(%arg12 : memref<!tpu.dma_semaphore, #tpu.memory_space<semaphore_mem>>) src(%arg7 : memref<128x128xf32, #tpu.memory_space<vmem>>) dst(%dma_wait3A_138 : memref<128x128xf32, #tpu.memory_space<hbm>>)
        %add3A_139 = arith.constant 256 : i32
        %add3A_140 = arith.addi %sub3A_126, %add3A_139 : i32
        %dma_wait3A_141 = arith.constant 0 : i32
        %dma_wait3A_142 = tpu.memref_slice %arg4[%add3A_140, %dma_wait3A_141] : memref<4608000x128xf32, #tpu.memory_space<hbm>> -> memref<128x128xf32, #tpu.memory_space<hbm>>
        %dma_wait3A_143 = arith.constant 0 : i32
        %dma_wait3A_144 = tpu.memref_slice %arg4[%add3A_140, %dma_wait3A_143] : memref<4608000x128xf32, #tpu.memory_space<hbm>> -> memref<128x128xf32, #tpu.memory_space<hbm>>
        tpu.wait_dma2 semaphore(%arg12 : memref<!tpu.dma_semaphore, #tpu.memory_space<semaphore_mem>>) src(%arg8 : memref<128x128xf32, #tpu.memory_space<vmem>>) dst(%dma_wait3A_144 : memref<128x128xf32, #tpu.memory_space<hbm>>)
        %add3A_145 = arith.constant 384 : i32
        %add3A_146 = arith.addi %sub3A_126, %add3A_145 : i32
        %dma_wait3A_147 = arith.constant 0 : i32
        %dma_wait3A_148 = tpu.memref_slice %arg4[%add3A_146, %dma_wait3A_147] : memref<4608000x128xf32, #tpu.memory_space<hbm>> -> memref<128x128xf32, #tpu.memory_space<hbm>>
        %dma_wait3A_149 = arith.constant 0 : i32
        %dma_wait3A_150 = tpu.memref_slice %arg4[%add3A_146, %dma_wait3A_149] : memref<4608000x128xf32, #tpu.memory_space<hbm>> -> memref<128x128xf32, #tpu.memory_space<hbm>>
        tpu.wait_dma2 semaphore(%arg12 : memref<!tpu.dma_semaphore, #tpu.memory_space<semaphore_mem>>) src(%arg9 : memref<128x128xf32, #tpu.memory_space<vmem>>) dst(%dma_wait3A_150 : memref<128x128xf32, #tpu.memory_space<hbm>>)
        %add3A_151 = arith.constant 512 : i32
        %add3A_152 = arith.addi %sub3A_126, %add3A_151 : i32
        %dma_wait3A_153 = arith.constant 0 : i32
        %dma_wait3A_154 = tpu.memref_slice %arg4[%add3A_152, %dma_wait3A_153] : memref<4608000x128xf32, #tpu.memory_space<hbm>> -> memref<128x128xf32, #tpu.memory_space<hbm>>
        %dma_wait3A_155 = arith.constant 0 : i32
        %dma_wait3A_156 = tpu.memref_slice %arg4[%add3A_152, %dma_wait3A_155] : memref<4608000x128xf32, #tpu.memory_space<hbm>> -> memref<128x128xf32, #tpu.memory_space<hbm>>
        tpu.wait_dma2 semaphore(%arg12 : memref<!tpu.dma_semaphore, #tpu.memory_space<semaphore_mem>>) src(%arg10 : memref<128x128xf32, #tpu.memory_space<vmem>>) dst(%dma_wait3A_156 : memref<128x128xf32, #tpu.memory_space<hbm>>)
      } else {
      }
      %dma_start3A = arith.constant 0 : i32
      %dma_start3A_47 = tpu.memref_slice %arg5[%dma_start3A] : memref<640xi32, #tpu.memory_space<vmem>> -> memref<128xi32, #tpu.memory_space<vmem>>
      %dma_start3A_48 = arith.constant 0 : i32
      %dma_start3A_49 = arith.constant 0 : i32
      %dma_start3A_50 = tpu.memref_slice %arg2[%dma_start3A_48, %dma_start3A_49] : memref<30000x128xf32, #tpu.memory_space<hbm>> -> memref<30000x128xf32, #tpu.memory_space<hbm>>
      tpu.enqueue_indirect_dma source(%dma_start3A_50 : memref<30000x128xf32, #tpu.memory_space<hbm>>) target(%arg6 : memref<128x128xf32, #tpu.memory_space<vmem>>) offsets(%dma_start3A_47 : memref<128xi32, #tpu.memory_space<vmem>>) semaphore(%arg11 : memref<!tpu.dma_semaphore, #tpu.memory_space<semaphore_mem>>)
      %dma_start3A_51 = arith.constant 128 : i32
      %dma_start3A_52 = tpu.memref_slice %arg5[%dma_start3A_51] : memref<640xi32, #tpu.memory_space<vmem>> -> memref<128xi32, #tpu.memory_space<vmem>>
      %dma_start3A_53 = arith.constant 0 : i32
      %dma_start3A_54 = arith.constant 0 : i32
      %dma_start3A_55 = tpu.memref_slice %arg2[%dma_start3A_53, %dma_start3A_54] : memref<30000x128xf32, #tpu.memory_space<hbm>> -> memref<30000x128xf32, #tpu.memory_space<hbm>>
      tpu.enqueue_indirect_dma source(%dma_start3A_55 : memref<30000x128xf32, #tpu.memory_space<hbm>>) target(%arg7 : memref<128x128xf32, #tpu.memory_space<vmem>>) offsets(%dma_start3A_52 : memref<128xi32, #tpu.memory_space<vmem>>) semaphore(%arg11 : memref<!tpu.dma_semaphore, #tpu.memory_space<semaphore_mem>>)
      %dma_start3A_56 = arith.constant 256 : i32
      %dma_start3A_57 = tpu.memref_slice %arg5[%dma_start3A_56] : memref<640xi32, #tpu.memory_space<vmem>> -> memref<128xi32, #tpu.memory_space<vmem>>
      %dma_start3A_58 = arith.constant 0 : i32
      %dma_start3A_59 = arith.constant 0 : i32
      %dma_start3A_60 = tpu.memref_slice %arg2[%dma_start3A_58, %dma_start3A_59] : memref<30000x128xf32, #tpu.memory_space<hbm>> -> memref<30000x128xf32, #tpu.memory_space<hbm>>
      tpu.enqueue_indirect_dma source(%dma_start3A_60 : memref<30000x128xf32, #tpu.memory_space<hbm>>) target(%arg8 : memref<128x128xf32, #tpu.memory_space<vmem>>) offsets(%dma_start3A_57 : memref<128xi32, #tpu.memory_space<vmem>>) semaphore(%arg11 : memref<!tpu.dma_semaphore, #tpu.memory_space<semaphore_mem>>)
      %dma_start3A_61 = arith.constant 384 : i32
      %dma_start3A_62 = tpu.memref_slice %arg5[%dma_start3A_61] : memref<640xi32, #tpu.memory_space<vmem>> -> memref<128xi32, #tpu.memory_space<vmem>>
      %dma_start3A_63 = arith.constant 0 : i32
      %dma_start3A_64 = arith.constant 0 : i32
      %dma_start3A_65 = tpu.memref_slice %arg2[%dma_start3A_63, %dma_start3A_64] : memref<30000x128xf32, #tpu.memory_space<hbm>> -> memref<30000x128xf32, #tpu.memory_space<hbm>>
      tpu.enqueue_indirect_dma source(%dma_start3A_65 : memref<30000x128xf32, #tpu.memory_space<hbm>>) target(%arg9 : memref<128x128xf32, #tpu.memory_space<vmem>>) offsets(%dma_start3A_62 : memref<128xi32, #tpu.memory_space<vmem>>) semaphore(%arg11 : memref<!tpu.dma_semaphore, #tpu.memory_space<semaphore_mem>>)
      %dma_start3A_66 = arith.constant 512 : i32
      %dma_start3A_67 = tpu.memref_slice %arg5[%dma_start3A_66] : memref<640xi32, #tpu.memory_space<vmem>> -> memref<128xi32, #tpu.memory_space<vmem>>
      %dma_start3A_68 = arith.constant 0 : i32
      %dma_start3A_69 = arith.constant 0 : i32
      %dma_start3A_70 = tpu.memref_slice %arg2[%dma_start3A_68, %dma_start3A_69] : memref<30000x128xf32, #tpu.memory_space<hbm>> -> memref<30000x128xf32, #tpu.memory_space<hbm>>
      tpu.enqueue_indirect_dma source(%dma_start3A_70 : memref<30000x128xf32, #tpu.memory_space<hbm>>) target(%arg10 : memref<128x128xf32, #tpu.memory_space<vmem>>) offsets(%dma_start3A_67 : memref<128xi32, #tpu.memory_space<vmem>>) semaphore(%arg11 : memref<!tpu.dma_semaphore, #tpu.memory_space<semaphore_mem>>)
      %dma_wait3A_71 = arith.constant 0 : i32
      %dma_wait3A_72 = tpu.memref_slice %arg5[%dma_wait3A_71] : memref<640xi32, #tpu.memory_space<vmem>> -> memref<128xi32, #tpu.memory_space<vmem>>
      %dma_wait3A_73 = arith.constant 0 : i32
      %dma_wait3A_74 = arith.constant 0 : i32
      %dma_wait3A_75 = tpu.memref_slice %arg2[%dma_wait3A_73, %dma_wait3A_74] : memref<30000x128xf32, #tpu.memory_space<hbm>> -> memref<30000x128xf32, #tpu.memory_space<hbm>>
      tpu.wait_indirect_dma semaphore(%arg11 : memref<!tpu.dma_semaphore, #tpu.memory_space<semaphore_mem>>) src(%dma_wait3A_75 : memref<30000x128xf32, #tpu.memory_space<hbm>>) dst(%arg6 : memref<128x128xf32, #tpu.memory_space<vmem>>)
      %add3A_76 = arith.constant 0 : i32
      %add3A_77 = arith.addi %add3A_44, %add3A_76 : i32
      %dma_start3A_78 = arith.constant 0 : i32
      %dma_start3A_79 = tpu.memref_slice %arg4[%add3A_77, %dma_start3A_78] : memref<4608000x128xf32, #tpu.memory_space<hbm>> -> memref<128x128xf32, #tpu.memory_space<hbm>>
      %dma_start3A_80 = arith.constant 0 : i32
      %dma_start3A_81 = tpu.memref_slice %arg4[%add3A_77, %dma_start3A_80] : memref<4608000x128xf32, #tpu.memory_space<hbm>> -> memref<128x128xf32, #tpu.memory_space<hbm>>
      tpu.enqueue_dma source(%arg6 : memref<128x128xf32, #tpu.memory_space<vmem>>) target(%dma_start3A_81 : memref<128x128xf32, #tpu.memory_space<hbm>>) target_semaphore(%arg12 : memref<!tpu.dma_semaphore, #tpu.memory_space<semaphore_mem>>)
      %dma_wait3A_82 = arith.constant 128 : i32
      %dma_wait3A_83 = tpu.memref_slice %arg5[%dma_wait3A_82] : memref<640xi32, #tpu.memory_space<vmem>> -> memref<128xi32, #tpu.memory_space<vmem>>
      %dma_wait3A_84 = arith.constant 0 : i32
      %dma_wait3A_85 = arith.constant 0 : i32
      %dma_wait3A_86 = tpu.memref_slice %arg2[%dma_wait3A_84, %dma_wait3A_85] : memref<30000x128xf32, #tpu.memory_space<hbm>> -> memref<30000x128xf32, #tpu.memory_space<hbm>>
      tpu.wait_indirect_dma semaphore(%arg11 : memref<!tpu.dma_semaphore, #tpu.memory_space<semaphore_mem>>) src(%dma_wait3A_86 : memref<30000x128xf32, #tpu.memory_space<hbm>>) dst(%arg7 : memref<128x128xf32, #tpu.memory_space<vmem>>)
      %add3A_87 = arith.constant 128 : i32
      %add3A_88 = arith.addi %add3A_44, %add3A_87 : i32
      %dma_start3A_89 = arith.constant 0 : i32
      %dma_start3A_90 = tpu.memref_slice %arg4[%add3A_88, %dma_start3A_89] : memref<4608000x128xf32, #tpu.memory_space<hbm>> -> memref<128x128xf32, #tpu.memory_space<hbm>>
      %dma_start3A_91 = arith.constant 0 : i32
      %dma_start3A_92 = tpu.memref_slice %arg4[%add3A_88, %dma_start3A_91] : memref<4608000x128xf32, #tpu.memory_space<hbm>> -> memref<128x128xf32, #tpu.memory_space<hbm>>
      tpu.enqueue_dma source(%arg7 : memref<128x128xf32, #tpu.memory_space<vmem>>) target(%dma_start3A_92 : memref<128x128xf32, #tpu.memory_space<hbm>>) target_semaphore(%arg12 : memref<!tpu.dma_semaphore, #tpu.memory_space<semaphore_mem>>)
      %dma_wait3A_93 = arith.constant 256 : i32
      %dma_wait3A_94 = tpu.memref_slice %arg5[%dma_wait3A_93] : memref<640xi32, #tpu.memory_space<vmem>> -> memref<128xi32, #tpu.memory_space<vmem>>
      %dma_wait3A_95 = arith.constant 0 : i32
      %dma_wait3A_96 = arith.constant 0 : i32
      %dma_wait3A_97 = tpu.memref_slice %arg2[%dma_wait3A_95, %dma_wait3A_96] : memref<30000x128xf32, #tpu.memory_space<hbm>> -> memref<30000x128xf32, #tpu.memory_space<hbm>>
      tpu.wait_indirect_dma semaphore(%arg11 : memref<!tpu.dma_semaphore, #tpu.memory_space<semaphore_mem>>) src(%dma_wait3A_97 : memref<30000x128xf32, #tpu.memory_space<hbm>>) dst(%arg8 : memref<128x128xf32, #tpu.memory_space<vmem>>)
      %add3A_98 = arith.constant 256 : i32
      %add3A_99 = arith.addi %add3A_44, %add3A_98 : i32
      %dma_start3A_100 = arith.constant 0 : i32
      %dma_start3A_101 = tpu.memref_slice %arg4[%add3A_99, %dma_start3A_100] : memref<4608000x128xf32, #tpu.memory_space<hbm>> -> memref<128x128xf32, #tpu.memory_space<hbm>>
      %dma_start3A_102 = arith.constant 0 : i32
      %dma_start3A_103 = tpu.memref_slice %arg4[%add3A_99, %dma_start3A_102] : memref<4608000x128xf32, #tpu.memory_space<hbm>> -> memref<128x128xf32, #tpu.memory_space<hbm>>
      tpu.enqueue_dma source(%arg8 : memref<128x128xf32, #tpu.memory_space<vmem>>) target(%dma_start3A_103 : memref<128x128xf32, #tpu.memory_space<hbm>>) target_semaphore(%arg12 : memref<!tpu.dma_semaphore, #tpu.memory_space<semaphore_mem>>)
      %dma_wait3A_104 = arith.constant 384 : i32
      %dma_wait3A_105 = tpu.memref_slice %arg5[%dma_wait3A_104] : memref<640xi32, #tpu.memory_space<vmem>> -> memref<128xi32, #tpu.memory_space<vmem>>
      %dma_wait3A_106 = arith.constant 0 : i32
      %dma_wait3A_107 = arith.constant 0 : i32
      %dma_wait3A_108 = tpu.memref_slice %arg2[%dma_wait3A_106, %dma_wait3A_107] : memref<30000x128xf32, #tpu.memory_space<hbm>> -> memref<30000x128xf32, #tpu.memory_space<hbm>>
      tpu.wait_indirect_dma semaphore(%arg11 : memref<!tpu.dma_semaphore, #tpu.memory_space<semaphore_mem>>) src(%dma_wait3A_108 : memref<30000x128xf32, #tpu.memory_space<hbm>>) dst(%arg9 : memref<128x128xf32, #tpu.memory_space<vmem>>)
      %add3A_109 = arith.constant 384 : i32
      %add3A_110 = arith.addi %add3A_44, %add3A_109 : i32
      %dma_start3A_111 = arith.constant 0 : i32
      %dma_start3A_112 = tpu.memref_slice %arg4[%add3A_110, %dma_start3A_111] : memref<4608000x128xf32, #tpu.memory_space<hbm>> -> memref<128x128xf32, #tpu.memory_space<hbm>>
      %dma_start3A_113 = arith.constant 0 : i32
      %dma_start3A_114 = tpu.memref_slice %arg4[%add3A_110, %dma_start3A_113] : memref<4608000x128xf32, #tpu.memory_space<hbm>> -> memref<128x128xf32, #tpu.memory_space<hbm>>
      tpu.enqueue_dma source(%arg9 : memref<128x128xf32, #tpu.memory_space<vmem>>) target(%dma_start3A_114 : memref<128x128xf32, #tpu.memory_space<hbm>>) target_semaphore(%arg12 : memref<!tpu.dma_semaphore, #tpu.memory_space<semaphore_mem>>)
      %dma_wait3A_115 = arith.constant 512 : i32
      %dma_wait3A_116 = tpu.memref_slice %arg5[%dma_wait3A_115] : memref<640xi32, #tpu.memory_space<vmem>> -> memref<128xi32, #tpu.memory_space<vmem>>
      %dma_wait3A_117 = arith.constant 0 : i32
      %dma_wait3A_118 = arith.constant 0 : i32
      %dma_wait3A_119 = tpu.memref_slice %arg2[%dma_wait3A_117, %dma_wait3A_118] : memref<30000x128xf32, #tpu.memory_space<hbm>> -> memref<30000x128xf32, #tpu.memory_space<hbm>>
      tpu.wait_indirect_dma semaphore(%arg11 : memref<!tpu.dma_semaphore, #tpu.memory_space<semaphore_mem>>) src(%dma_wait3A_119 : memref<30000x128xf32, #tpu.memory_space<hbm>>) dst(%arg10 : memref<128x128xf32, #tpu.memory_space<vmem>>)
      %add3A_120 = arith.constant 512 : i32
      %add3A_121 = arith.addi %add3A_44, %add3A_120 : i32
      %dma_start3A_122 = arith.constant 0 : i32
      %dma_start3A_123 = tpu.memref_slice %arg4[%add3A_121, %dma_start3A_122] : memref<4608000x128xf32, #tpu.memory_space<hbm>> -> memref<128x128xf32, #tpu.memory_space<hbm>>
      %dma_start3A_124 = arith.constant 0 : i32
      %dma_start3A_125 = tpu.memref_slice %arg4[%add3A_121, %dma_start3A_124] : memref<4608000x128xf32, #tpu.memory_space<hbm>> -> memref<128x128xf32, #tpu.memory_space<hbm>>
      tpu.enqueue_dma source(%arg10 : memref<128x128xf32, #tpu.memory_space<vmem>>) target(%dma_start3A_125 : memref<128x128xf32, #tpu.memory_space<hbm>>) target_semaphore(%arg12 : memref<!tpu.dma_semaphore, #tpu.memory_space<semaphore_mem>>)
    }
    %scan3A_5 = arith.constant 225 : i32
    %mul3A_6 = arith.constant 144000 : i32
    %mul3A_7 = arith.muli %add3A, %mul3A_6 : i32
    %add3A_8 = arith.constant 143360 : i32
    %add3A_9 = arith.addi %mul3A_7, %add3A_8 : i32
    %add3A_10 = arith.constant 0 : i32
    %add3A_11 = arith.addi %add3A_9, %add3A_10 : i32
    %dma_wait3A = arith.constant 0 : i32
    %dma_wait3A_12 = tpu.memref_slice %arg4[%add3A_11, %dma_wait3A] : memref<4608000x128xf32, #tpu.memory_space<hbm>> -> memref<128x128xf32, #tpu.memory_space<hbm>>
    %dma_wait3A_13 = arith.constant 0 : i32
    %dma_wait3A_14 = tpu.memref_slice %arg4[%add3A_11, %dma_wait3A_13] : memref<4608000x128xf32, #tpu.memory_space<hbm>> -> memref<128x128xf32, #tpu.memory_space<hbm>>
    tpu.wait_dma2 semaphore(%arg12 : memref<!tpu.dma_semaphore, #tpu.memory_space<semaphore_mem>>) src(%arg6 : memref<128x128xf32, #tpu.memory_space<vmem>>) dst(%dma_wait3A_14 : memref<128x128xf32, #tpu.memory_space<hbm>>)
    %add3A_15 = arith.constant 128 : i32
    %add3A_16 = arith.addi %add3A_9, %add3A_15 : i32
    %dma_wait3A_17 = arith.constant 0 : i32
    %dma_wait3A_18 = tpu.memref_slice %arg4[%add3A_16, %dma_wait3A_17] : memref<4608000x128xf32, #tpu.memory_space<hbm>> -> memref<128x128xf32, #tpu.memory_space<hbm>>
    %dma_wait3A_19 = arith.constant 0 : i32
    %dma_wait3A_20 = tpu.memref_slice %arg4[%add3A_16, %dma_wait3A_19] : memref<4608000x128xf32, #tpu.memory_space<hbm>> -> memref<128x128xf32, #tpu.memory_space<hbm>>
    tpu.wait_dma2 semaphore(%arg12 : memref<!tpu.dma_semaphore, #tpu.memory_space<semaphore_mem>>) src(%arg7 : memref<128x128xf32, #tpu.memory_space<vmem>>) dst(%dma_wait3A_20 : memref<128x128xf32, #tpu.memory_space<hbm>>)
    %add3A_21 = arith.constant 256 : i32
    %add3A_22 = arith.addi %add3A_9, %add3A_21 : i32
    %dma_wait3A_23 = arith.constant 0 : i32
    %dma_wait3A_24 = tpu.memref_slice %arg4[%add3A_22, %dma_wait3A_23] : memref<4608000x128xf32, #tpu.memory_space<hbm>> -> memref<128x128xf32, #tpu.memory_space<hbm>>
    %dma_wait3A_25 = arith.constant 0 : i32
    %dma_wait3A_26 = tpu.memref_slice %arg4[%add3A_22, %dma_wait3A_25] : memref<4608000x128xf32, #tpu.memory_space<hbm>> -> memref<128x128xf32, #tpu.memory_space<hbm>>
    tpu.wait_dma2 semaphore(%arg12 : memref<!tpu.dma_semaphore, #tpu.memory_space<semaphore_mem>>) src(%arg8 : memref<128x128xf32, #tpu.memory_space<vmem>>) dst(%dma_wait3A_26 : memref<128x128xf32, #tpu.memory_space<hbm>>)
    %add3A_27 = arith.constant 384 : i32
    %add3A_28 = arith.addi %add3A_9, %add3A_27 : i32
    %dma_wait3A_29 = arith.constant 0 : i32
    %dma_wait3A_30 = tpu.memref_slice %arg4[%add3A_28, %dma_wait3A_29] : memref<4608000x128xf32, #tpu.memory_space<hbm>> -> memref<128x128xf32, #tpu.memory_space<hbm>>
    %dma_wait3A_31 = arith.constant 0 : i32
    %dma_wait3A_32 = tpu.memref_slice %arg4[%add3A_28, %dma_wait3A_31] : memref<4608000x128xf32, #tpu.memory_space<hbm>> -> memref<128x128xf32, #tpu.memory_space<hbm>>
    tpu.wait_dma2 semaphore(%arg12 : memref<!tpu.dma_semaphore, #tpu.memory_space<semaphore_mem>>) src(%arg9 : memref<128x128xf32, #tpu.memory_space<vmem>>) dst(%dma_wait3A_32 : memref<128x128xf32, #tpu.memory_space<hbm>>)
    %add3A_33 = arith.constant 512 : i32
    %add3A_34 = arith.addi %add3A_9, %add3A_33 : i32
    %dma_wait3A_35 = arith.constant 0 : i32
    %dma_wait3A_36 = tpu.memref_slice %arg4[%add3A_34, %dma_wait3A_35] : memref<4608000x128xf32, #tpu.memory_space<hbm>> -> memref<128x128xf32, #tpu.memory_space<hbm>>
    %dma_wait3A_37 = arith.constant 0 : i32
    %dma_wait3A_38 = tpu.memref_slice %arg4[%add3A_34, %dma_wait3A_37] : memref<4608000x128xf32, #tpu.memory_space<hbm>> -> memref<128x128xf32, #tpu.memory_space<hbm>>
    tpu.wait_dma2 semaphore(%arg12 : memref<!tpu.dma_semaphore, #tpu.memory_space<semaphore_mem>>) src(%arg10 : memref<128x128xf32, #tpu.memory_space<vmem>>) dst(%dma_wait3A_38 : memref<128x128xf32, #tpu.memory_space<hbm>>)
    return
  }
}

module attributes {stable_mosaic.version = 14 : i64} {
  func.func @_mp_body(%arg0: i32, %arg1: memref<80x20x128xf32, #tpu.memory_space<vmem>>, %arg2: memref<80x20x128xf32, #tpu.memory_space<vmem>>, %arg3: memref<80x20x128xf32, #tpu.memory_space<vmem>>, %arg4: memref<80x20x128xf32, #tpu.memory_space<vmem>>, %arg5: memref<80x20x128xf32, #tpu.memory_space<vmem>>, %arg6: memref<80x128xf32, #tpu.memory_space<vmem>>, %arg7: memref<1x128xf32, #tpu.memory_space<vmem>>, %arg8: memref<128x128xf32, #tpu.memory_space<vmem>>, %arg9: memref<128x128xf32, #tpu.memory_space<vmem>>, %arg10: memref<1x128xf32, #tpu.memory_space<vmem>>, %arg11: memref<80x128xf32, #tpu.memory_space<vmem>>, %arg12: memref<8x128xf32, #tpu.memory_space<vmem>>) attributes {dimension_semantics = [#tpu.dimension_semantics<arbitrary>], iteration_bounds = array<i64: 125>, scalar_prefetch = 0 : i64, scratch_operands = 0 : i64, tpu.core_type = #tpu.core_type<tc>, window_params = [{transform_indices = @transform_0, window_bounds = array<i64: 80, 20, 128>}, {transform_indices = @transform_1, window_bounds = array<i64: 80, 20, 128>}, {transform_indices = @transform_2, window_bounds = array<i64: 80, 20, 128>}, {transform_indices = @transform_3, window_bounds = array<i64: 80, 20, 128>}, {transform_indices = @transform_4, window_bounds = array<i64: 80, 20, 128>}, {transform_indices = @transform_5, window_bounds = array<i64: 80, 128>}, {pipeline_mode = #tpu.pipeline_mode<synchronous>, transform_indices = @transform_6, window_bounds = array<i64: 1, 128>}, {pipeline_mode = #tpu.pipeline_mode<synchronous>, transform_indices = @transform_7, window_bounds = array<i64: 128, 128>}, {pipeline_mode = #tpu.pipeline_mode<synchronous>, transform_indices = @transform_8, window_bounds = array<i64: 128, 128>}, {pipeline_mode = #tpu.pipeline_mode<synchronous>, transform_indices = @transform_9, window_bounds = array<i64: 1, 128>}, {transform_indices = @transform_10, window_bounds = array<i64: 80, 128>}, {pipeline_mode = #tpu.pipeline_mode<synchronous>, transform_indices = @transform_11, window_bounds = array<i64: 8, 128>}]} {
    %get3A = arith.constant 0 : index
    %get3A_0 = arith.constant 0 : index
    %get3A_1 = arith.constant 0 : index
    %get3A_2 = vector.load %arg1[%get3A, %get3A_0, %get3A_1] : memref<80x20x128xf32, #tpu.memory_space<vmem>>, vector<80x20x128xf32>
    %get3A_3 = arith.constant 0 : index
    %get3A_4 = arith.constant 0 : index
    %get3A_5 = arith.constant 0 : index
    %get3A_6 = vector.load %arg2[%get3A_3, %get3A_4, %get3A_5] : memref<80x20x128xf32, #tpu.memory_space<vmem>>, vector<80x20x128xf32>
    %max3A = arith.maximumf %get3A_2, %get3A_6 : vector<80x20x128xf32>
    %get3A_7 = arith.constant 0 : index
    %get3A_8 = arith.constant 0 : index
    %get3A_9 = arith.constant 0 : index
    %get3A_10 = vector.load %arg3[%get3A_7, %get3A_8, %get3A_9] : memref<80x20x128xf32, #tpu.memory_space<vmem>>, vector<80x20x128xf32>
    %max3A_11 = arith.maximumf %max3A, %get3A_10 : vector<80x20x128xf32>
    %get3A_12 = arith.constant 0 : index
    %get3A_13 = arith.constant 0 : index
    %get3A_14 = arith.constant 0 : index
    %get3A_15 = vector.load %arg4[%get3A_12, %get3A_13, %get3A_14] : memref<80x20x128xf32, #tpu.memory_space<vmem>>, vector<80x20x128xf32>
    %max3A_16 = arith.maximumf %max3A_11, %get3A_15 : vector<80x20x128xf32>
    %get3A_17 = arith.constant 0 : index
    %get3A_18 = arith.constant 0 : index
    %get3A_19 = arith.constant 0 : index
    %get3A_20 = vector.load %arg5[%get3A_17, %get3A_18, %get3A_19] : memref<80x20x128xf32, #tpu.memory_space<vmem>>, vector<80x20x128xf32>
    %max3A_21 = arith.maximumf %max3A_16, %get3A_20 : vector<80x20x128xf32>
    %get3A_22 = arith.constant 0 : index
    %get3A_23 = arith.constant 0 : index
    %get3A_24 = vector.load %arg7[%get3A_22, %get3A_23] : memref<1x128xf32, #tpu.memory_space<vmem>>, vector<1x128xf32>
    %broadcast_in_dim3A = vector.shape_cast %get3A_24 : vector<1x128xf32> to vector<1x1x128xf32>
    %mul3A = vector.broadcast %broadcast_in_dim3A : vector<1x1x128xf32> to vector<80x20x128xf32>
    %mul3A_25 = arith.mulf %max3A_21, %mul3A : vector<80x20x128xf32>
    %reduce_sum3A = arith.constant dense<0.000000e+00> : vector<80x20xf32>
    %reduce_sum3A_26 = vector.multi_reduction <add>, %mul3A_25, %reduce_sum3A [2] : vector<80x20x128xf32> to vector<80x20xf32>
    %get3A_27 = arith.constant 0 : index
    %get3A_28 = arith.constant 0 : index
    %get3A_29 = vector.load %arg6[%get3A_27, %get3A_28] : memref<80x128xf32, #tpu.memory_space<vmem>>, vector<80x128xf32>
    %mul3A_30 = vector.broadcast %get3A_24 : vector<1x128xf32> to vector<80x128xf32>
    %mul3A_31 = arith.mulf %get3A_29, %mul3A_30 : vector<80x128xf32>
    %reduce_sum3A_32 = arith.constant dense<0.000000e+00> : vector<80xf32>
    %reduce_sum3A_33 = vector.multi_reduction <add>, %mul3A_31, %reduce_sum3A_32 [1] : vector<80x128xf32> to vector<80xf32>
    %broadcast_in_dim3A_34 = vector.shape_cast %reduce_sum3A_33 : vector<80xf32> to vector<80x1xf32>
    %add3A = vector.broadcast %broadcast_in_dim3A_34 : vector<80x1xf32> to vector<80x20xf32>
    %add3A_35 = arith.addf %reduce_sum3A_26, %add3A : vector<80x20xf32>
    %ge3A = arith.constant 0.000000e+00 : f32
    %ge3A_36 = vector.broadcast %ge3A : f32 to vector<80x20xf32>
    %ge3A_37 = arith.cmpf oge, %add3A_35, %ge3A_36 : vector<80x20xf32>
    %mul3A_38 = arith.constant 2.000000e-01 : f32
    %mul3A_39 = vector.broadcast %mul3A_38 : f32 to vector<80x20xf32>
    %mul3A_40 = arith.mulf %mul3A_39, %add3A_35 : vector<80x20xf32>
    %select_n3A = arith.select %ge3A_37, %add3A_35, %mul3A_40 : vector<80x20xi1>, vector<80x20xf32>
    %reduce_max3A = arith.constant dense<0xFF800000> : vector<80xf32>
    %reduce_max3A_41 = vector.multi_reduction <maximumf>, %select_n3A, %reduce_max3A [1] : vector<80x20xf32> to vector<80xf32>
    %broadcast_in_dim3A_42 = vector.shape_cast %reduce_max3A_41 : vector<80xf32> to vector<80x1xf32>
    %sub3A = vector.broadcast %broadcast_in_dim3A_42 : vector<80x1xf32> to vector<80x20xf32>
    %sub3A_43 = arith.subf %select_n3A, %sub3A : vector<80x20xf32>
    %exp3A = math.exp %sub3A_43 : vector<80x20xf32>
    %reduce_sum3A_44 = arith.constant dense<0.000000e+00> : vector<80xf32>
    %reduce_sum3A_45 = vector.multi_reduction <add>, %exp3A, %reduce_sum3A_44 [1] : vector<80x20xf32> to vector<80xf32>
    %broadcast_in_dim3A_46 = vector.shape_cast %reduce_sum3A_45 : vector<80xf32> to vector<80x1xf32>
    %div3A = vector.broadcast %broadcast_in_dim3A_46 : vector<80x1xf32> to vector<80x20xf32>
    %div3A_47 = arith.divf %exp3A, %div3A : vector<80x20xf32>
    %broadcast_in_dim3A_48 = vector.shape_cast %div3A_47 : vector<80x20xf32> to vector<80x20x1xf32>
    %mul3A_49 = vector.broadcast %broadcast_in_dim3A_48 : vector<80x20x1xf32> to vector<80x20x128xf32>
    %mul3A_50 = arith.mulf %max3A_21, %mul3A_49 : vector<80x20x128xf32>
    %reduce_sum3A_51 = arith.constant dense<0.000000e+00> : vector<80x128xf32>
    %reduce_sum3A_52 = vector.multi_reduction <add>, %mul3A_50, %reduce_sum3A_51 [1] : vector<80x20x128xf32> to vector<80x128xf32>
    %get3A_53 = arith.constant 0 : index
    %get3A_54 = arith.constant 0 : index
    %get3A_55 = vector.load %arg8[%get3A_53, %get3A_54] : memref<128x128xf32, #tpu.memory_space<vmem>>, vector<128x128xf32>
    %dot_general3A = arith.constant dense<0.000000e+00> : vector<80x128xf32>
    %dot_general3A_56 = tpu.matmul %reduce_sum3A_52, %get3A_55, %dot_general3A {dimension_numbers = #tpu.dot_dimension_numbers<[1], [1], [0], [0], [0, 0, 1, 0], [], []>, transpose_lhs_hint = false} : vector<80x128xf32>, vector<128x128xf32>, vector<80x128xf32> -> vector<80x128xf32>
    %swap3A = arith.constant 0 : index
    %swap3A_57 = arith.constant 0 : index
    %swap3A_58 = vector.load %arg11[%swap3A, %swap3A_57] : memref<80x128xf32, #tpu.memory_space<vmem>>, vector<80x128xf32>
    tpu.vector_store %arg11[%swap3A, %swap3A_57], %dot_general3A_56 {strides = array<i32>} : memref<80x128xf32, #tpu.memory_space<vmem>>, vector<80x128xf32>,
    %get3A_59 = arith.constant 0 : index
    %get3A_60 = arith.constant 0 : index
    %get3A_61 = vector.load %arg9[%get3A_59, %get3A_60] : memref<128x128xf32, #tpu.memory_space<vmem>>, vector<128x128xf32>
    %dot_general3A_62 = arith.constant dense<0.000000e+00> : vector<80x128xf32>
    %dot_general3A_63 = tpu.matmul %dot_general3A_56, %get3A_61, %dot_general3A_62 {dimension_numbers = #tpu.dot_dimension_numbers<[1], [1], [0], [0], [0, 0, 1, 0], [], []>, transpose_lhs_hint = false} : vector<80x128xf32>, vector<128x128xf32>, vector<80x128xf32> -> vector<80x128xf32>
    %get3A_64 = arith.constant 0 : index
    %get3A_65 = arith.constant 0 : index
    %get3A_66 = vector.load %arg10[%get3A_64, %get3A_65] : memref<1x128xf32, #tpu.memory_space<vmem>>, vector<1x128xf32>
    %add3A_67 = vector.broadcast %get3A_66 : vector<1x128xf32> to vector<80x128xf32>
    %add3A_68 = arith.addf %dot_general3A_63, %add3A_67 : vector<80x128xf32>
    %tanh3A = math.tanh %add3A_68 : vector<80x128xf32>
    %reduce_sum3A_69 = arith.constant dense<0.000000e+00> : vector<128xf32>
    %reduce_sum3A_70 = vector.multi_reduction <add>, %tanh3A, %reduce_sum3A_69 [0] : vector<80x128xf32> to vector<128xf32>
    %broadcast_in_dim3A_71 = vector.shape_cast %reduce_sum3A_70 : vector<128xf32> to vector<1x128xf32>
    %eq3A = arith.constant 0 : i32
    %eq3A_72 = arith.cmpi eq, %arg0, %eq3A : i32
    %convert_element_type3A = arith.extui %eq3A_72 : i1 to i32
    %cond3A = arith.constant 0 : i32
    %cond3A_73 = arith.cmpi ne, %convert_element_type3A, %cond3A : i32
    scf.if %cond3A_73 {
      %broadcast_in_dim3A_83 = arith.constant 0.000000e+00 : f32
      %broadcast_in_dim3A_84 = vector.broadcast %broadcast_in_dim3A_83 : f32 to vector<8x128xf32>
      %swap3A_85 = arith.constant 0 : index
      %swap3A_86 = arith.constant 0 : index
      %swap3A_87 = vector.load %arg12[%swap3A_85, %swap3A_86] : memref<8x128xf32, #tpu.memory_space<vmem>>, vector<8x128xf32>
      tpu.vector_store %arg12[%swap3A_85, %swap3A_86], %broadcast_in_dim3A_84 {strides = array<i32>} : memref<8x128xf32, #tpu.memory_space<vmem>>, vector<8x128xf32>,
    } else {
    }
    %get3A_74 = arith.constant 0 : index
    %get3A_75 = arith.constant 0 : index
    %get3A_76 = vector.load %arg12[%get3A_74, %get3A_75] : memref<8x128xf32, #tpu.memory_space<vmem>>, vector<8x128xf32>
    %broadcast_in_dim3A_77 = vector.shape_cast %broadcast_in_dim3A_71 : vector<1x128xf32> to vector<1x128xf32>
    %broadcast_in_dim3A_78 = vector.broadcast %broadcast_in_dim3A_77 : vector<1x128xf32> to vector<8x128xf32>
    %add3A_79 = arith.addf %get3A_76, %broadcast_in_dim3A_78 : vector<8x128xf32>
    %swap3A_80 = arith.constant 0 : index
    %swap3A_81 = arith.constant 0 : index
    %swap3A_82 = vector.load %arg12[%swap3A_80, %swap3A_81] : memref<8x128xf32, #tpu.memory_space<vmem>>, vector<8x128xf32>
    tpu.vector_store %arg12[%swap3A_80, %swap3A_81], %add3A_79 {strides = array<i32>} : memref<8x128xf32, #tpu.memory_space<vmem>>, vector<8x128xf32>,
    return
  }
  func.func @transform_0(%arg0: i32) -> (i32, i32, i32) {
    %add3A = arith.constant 2250 : i32
    %add3A_0 = arith.addi %add3A, %arg0 : i32
    %c0_i32 = arith.constant 0 : i32
    %c0_i32_1 = arith.constant 0 : i32
    %c0_i32_2 = arith.constant 0 : i32
    return %add3A_0, %c0_i32, %c0_i32_1 : i32, i32, i32
  }
  func.func @transform_1(%arg0: i32) -> (i32, i32, i32) {
    %add3A = arith.constant 2375 : i32
    %add3A_0 = arith.addi %add3A, %arg0 : i32
    %c0_i32 = arith.constant 0 : i32
    %c0_i32_1 = arith.constant 0 : i32
    %c0_i32_2 = arith.constant 0 : i32
    return %add3A_0, %c0_i32, %c0_i32_1 : i32, i32, i32
  }
  func.func @transform_2(%arg0: i32) -> (i32, i32, i32) {
    %add3A = arith.constant 2500 : i32
    %add3A_0 = arith.addi %add3A, %arg0 : i32
    %c0_i32 = arith.constant 0 : i32
    %c0_i32_1 = arith.constant 0 : i32
    %c0_i32_2 = arith.constant 0 : i32
    return %add3A_0, %c0_i32, %c0_i32_1 : i32, i32, i32
  }
  func.func @transform_3(%arg0: i32) -> (i32, i32, i32) {
    %add3A = arith.constant 2625 : i32
    %add3A_0 = arith.addi %add3A, %arg0 : i32
    %c0_i32 = arith.constant 0 : i32
    %c0_i32_1 = arith.constant 0 : i32
    %c0_i32_2 = arith.constant 0 : i32
    return %add3A_0, %c0_i32, %c0_i32_1 : i32, i32, i32
  }
  func.func @transform_4(%arg0: i32) -> (i32, i32, i32) {
    %add3A = arith.constant 2750 : i32
    %add3A_0 = arith.addi %add3A, %arg0 : i32
    %c0_i32 = arith.constant 0 : i32
    %c0_i32_1 = arith.constant 0 : i32
    %c0_i32_2 = arith.constant 0 : i32
    return %add3A_0, %c0_i32, %c0_i32_1 : i32, i32, i32
  }
  func.func @transform_5(%arg0: i32) -> (i32, i32) {
    %c0_i32 = arith.constant 0 : i32
    %c0_i32_0 = arith.constant 0 : i32
    return %arg0, %c0_i32 : i32, i32
  }
  func.func @transform_6(%arg0: i32) -> (i32, i32) {
    %c0_i32 = arith.constant 0 : i32
    %c0_i32_0 = arith.constant 0 : i32
    %c0_i32_1 = arith.constant 0 : i32
    return %c0_i32, %c0_i32_0 : i32, i32
  }
  func.func @transform_7(%arg0: i32) -> (i32, i32) {
    %c0_i32 = arith.constant 0 : i32
    %c0_i32_0 = arith.constant 0 : i32
    %c0_i32_1 = arith.constant 0 : i32
    return %c0_i32, %c0_i32_0 : i32, i32
  }
  func.func @transform_8(%arg0: i32) -> (i32, i32) {
    %c0_i32 = arith.constant 0 : i32
    %c0_i32_0 = arith.constant 0 : i32
    %c0_i32_1 = arith.constant 0 : i32
    return %c0_i32, %c0_i32_0 : i32, i32
  }
  func.func @transform_9(%arg0: i32) -> (i32, i32) {
    %c0_i32 = arith.constant 0 : i32
    %c0_i32_0 = arith.constant 0 : i32
    %c0_i32_1 = arith.constant 0 : i32
    return %c0_i32, %c0_i32_0 : i32, i32
  }
  func.func @transform_10(%arg0: i32) -> (i32, i32) {
    %c0_i32 = arith.constant 0 : i32
    %c0_i32_0 = arith.constant 0 : i32
    return %arg0, %c0_i32 : i32, i32
  }
  func.func @transform_11(%arg0: i32) -> (i32, i32) {
    %c0_i32 = arith.constant 0 : i32
    %c0_i32_0 = arith.constant 0 : i32
    %c0_i32_1 = arith.constant 0 : i32
    return %c0_i32, %c0_i32_0 : i32, i32
  }
}

module attributes {stable_mosaic.version = 14 : i64} {
  func.func @_mp_body(%arg0: i32, %arg1: memref<80x20x128xf32, #tpu.memory_space<vmem>>, %arg2: memref<80x20x128xf32, #tpu.memory_space<vmem>>, %arg3: memref<80x20x128xf32, #tpu.memory_space<vmem>>, %arg4: memref<80x128xf32, #tpu.memory_space<vmem>>, %arg5: memref<1x128xf32, #tpu.memory_space<vmem>>, %arg6: memref<128x128xf32, #tpu.memory_space<vmem>>, %arg7: memref<128x128xf32, #tpu.memory_space<vmem>>, %arg8: memref<1x128xf32, #tpu.memory_space<vmem>>, %arg9: memref<80x128xf32, #tpu.memory_space<vmem>>, %arg10: memref<8x128xf32, #tpu.memory_space<vmem>>) attributes {dimension_semantics = [#tpu.dimension_semantics<arbitrary>], iteration_bounds = array<i64: 125>, scalar_prefetch = 0 : i64, scratch_operands = 0 : i64, tpu.core_type = #tpu.core_type<tc>, window_params = [{transform_indices = @transform_0, window_bounds = array<i64: 80, 20, 128>}, {transform_indices = @transform_1, window_bounds = array<i64: 80, 20, 128>}, {transform_indices = @transform_2, window_bounds = array<i64: 80, 20, 128>}, {transform_indices = @transform_3, window_bounds = array<i64: 80, 128>}, {pipeline_mode = #tpu.pipeline_mode<synchronous>, transform_indices = @transform_4, window_bounds = array<i64: 1, 128>}, {pipeline_mode = #tpu.pipeline_mode<synchronous>, transform_indices = @transform_5, window_bounds = array<i64: 128, 128>}, {pipeline_mode = #tpu.pipeline_mode<synchronous>, transform_indices = @transform_6, window_bounds = array<i64: 128, 128>}, {pipeline_mode = #tpu.pipeline_mode<synchronous>, transform_indices = @transform_7, window_bounds = array<i64: 1, 128>}, {transform_indices = @transform_8, window_bounds = array<i64: 80, 128>}, {pipeline_mode = #tpu.pipeline_mode<synchronous>, transform_indices = @transform_9, window_bounds = array<i64: 8, 128>}]} {
    %get3A = arith.constant 0 : index
    %get3A_0 = arith.constant 0 : index
    %get3A_1 = arith.constant 0 : index
    %get3A_2 = vector.load %arg1[%get3A, %get3A_0, %get3A_1] : memref<80x20x128xf32, #tpu.memory_space<vmem>>, vector<80x20x128xf32>
    %get3A_3 = arith.constant 0 : index
    %get3A_4 = arith.constant 0 : index
    %get3A_5 = arith.constant 0 : index
    %get3A_6 = vector.load %arg2[%get3A_3, %get3A_4, %get3A_5] : memref<80x20x128xf32, #tpu.memory_space<vmem>>, vector<80x20x128xf32>
    %max3A = arith.maximumf %get3A_2, %get3A_6 : vector<80x20x128xf32>
    %get3A_7 = arith.constant 0 : index
    %get3A_8 = arith.constant 0 : index
    %get3A_9 = arith.constant 0 : index
    %get3A_10 = vector.load %arg3[%get3A_7, %get3A_8, %get3A_9] : memref<80x20x128xf32, #tpu.memory_space<vmem>>, vector<80x20x128xf32>
    %max3A_11 = arith.maximumf %max3A, %get3A_10 : vector<80x20x128xf32>
    %get3A_12 = arith.constant 0 : index
    %get3A_13 = arith.constant 0 : index
    %get3A_14 = vector.load %arg5[%get3A_12, %get3A_13] : memref<1x128xf32, #tpu.memory_space<vmem>>, vector<1x128xf32>
    %broadcast_in_dim3A = vector.shape_cast %get3A_14 : vector<1x128xf32> to vector<1x1x128xf32>
    %mul3A = vector.broadcast %broadcast_in_dim3A : vector<1x1x128xf32> to vector<80x20x128xf32>
    %mul3A_15 = arith.mulf %max3A_11, %mul3A : vector<80x20x128xf32>
    %reduce_sum3A = arith.constant dense<0.000000e+00> : vector<80x20xf32>
    %reduce_sum3A_16 = vector.multi_reduction <add>, %mul3A_15, %reduce_sum3A [2] : vector<80x20x128xf32> to vector<80x20xf32>
    %get3A_17 = arith.constant 0 : index
    %get3A_18 = arith.constant 0 : index
    %get3A_19 = vector.load %arg4[%get3A_17, %get3A_18] : memref<80x128xf32, #tpu.memory_space<vmem>>, vector<80x128xf32>
    %mul3A_20 = vector.broadcast %get3A_14 : vector<1x128xf32> to vector<80x128xf32>
    %mul3A_21 = arith.mulf %get3A_19, %mul3A_20 : vector<80x128xf32>
    %reduce_sum3A_22 = arith.constant dense<0.000000e+00> : vector<80xf32>
    %reduce_sum3A_23 = vector.multi_reduction <add>, %mul3A_21, %reduce_sum3A_22 [1] : vector<80x128xf32> to vector<80xf32>
    %broadcast_in_dim3A_24 = vector.shape_cast %reduce_sum3A_23 : vector<80xf32> to vector<80x1xf32>
    %add3A = vector.broadcast %broadcast_in_dim3A_24 : vector<80x1xf32> to vector<80x20xf32>
    %add3A_25 = arith.addf %reduce_sum3A_16, %add3A : vector<80x20xf32>
    %ge3A = arith.constant 0.000000e+00 : f32
    %ge3A_26 = vector.broadcast %ge3A : f32 to vector<80x20xf32>
    %ge3A_27 = arith.cmpf oge, %add3A_25, %ge3A_26 : vector<80x20xf32>
    %mul3A_28 = arith.constant 2.000000e-01 : f32
    %mul3A_29 = vector.broadcast %mul3A_28 : f32 to vector<80x20xf32>
    %mul3A_30 = arith.mulf %mul3A_29, %add3A_25 : vector<80x20xf32>
    %select_n3A = arith.select %ge3A_27, %add3A_25, %mul3A_30 : vector<80x20xi1>, vector<80x20xf32>
    %reduce_max3A = arith.constant dense<0xFF800000> : vector<80xf32>
    %reduce_max3A_31 = vector.multi_reduction <maximumf>, %select_n3A, %reduce_max3A [1] : vector<80x20xf32> to vector<80xf32>
    %broadcast_in_dim3A_32 = vector.shape_cast %reduce_max3A_31 : vector<80xf32> to vector<80x1xf32>
    %sub3A = vector.broadcast %broadcast_in_dim3A_32 : vector<80x1xf32> to vector<80x20xf32>
    %sub3A_33 = arith.subf %select_n3A, %sub3A : vector<80x20xf32>
    %exp3A = math.exp %sub3A_33 : vector<80x20xf32>
    %reduce_sum3A_34 = arith.constant dense<0.000000e+00> : vector<80xf32>
    %reduce_sum3A_35 = vector.multi_reduction <add>, %exp3A, %reduce_sum3A_34 [1] : vector<80x20xf32> to vector<80xf32>
    %broadcast_in_dim3A_36 = vector.shape_cast %reduce_sum3A_35 : vector<80xf32> to vector<80x1xf32>
    %div3A = vector.broadcast %broadcast_in_dim3A_36 : vector<80x1xf32> to vector<80x20xf32>
    %div3A_37 = arith.divf %exp3A, %div3A : vector<80x20xf32>
    %broadcast_in_dim3A_38 = vector.shape_cast %div3A_37 : vector<80x20xf32> to vector<80x20x1xf32>
    %mul3A_39 = vector.broadcast %broadcast_in_dim3A_38 : vector<80x20x1xf32> to vector<80x20x128xf32>
    %mul3A_40 = arith.mulf %max3A_11, %mul3A_39 : vector<80x20x128xf32>
    %reduce_sum3A_41 = arith.constant dense<0.000000e+00> : vector<80x128xf32>
    %reduce_sum3A_42 = vector.multi_reduction <add>, %mul3A_40, %reduce_sum3A_41 [1] : vector<80x20x128xf32> to vector<80x128xf32>
    %get3A_43 = arith.constant 0 : index
    %get3A_44 = arith.constant 0 : index
    %get3A_45 = vector.load %arg6[%get3A_43, %get3A_44] : memref<128x128xf32, #tpu.memory_space<vmem>>, vector<128x128xf32>
    %dot_general3A = arith.constant dense<0.000000e+00> : vector<80x128xf32>
    %dot_general3A_46 = tpu.matmul %reduce_sum3A_42, %get3A_45, %dot_general3A {dimension_numbers = #tpu.dot_dimension_numbers<[1], [1], [0], [0], [0, 0, 1, 0], [], []>, transpose_lhs_hint = false} : vector<80x128xf32>, vector<128x128xf32>, vector<80x128xf32> -> vector<80x128xf32>
    %swap3A = arith.constant 0 : index
    %swap3A_47 = arith.constant 0 : index
    %swap3A_48 = vector.load %arg9[%swap3A, %swap3A_47] : memref<80x128xf32, #tpu.memory_space<vmem>>, vector<80x128xf32>
    tpu.vector_store %arg9[%swap3A, %swap3A_47], %dot_general3A_46 {strides = array<i32>} : memref<80x128xf32, #tpu.memory_space<vmem>>, vector<80x128xf32>,
    %get3A_49 = arith.constant 0 : index
    %get3A_50 = arith.constant 0 : index
    %get3A_51 = vector.load %arg7[%get3A_49, %get3A_50] : memref<128x128xf32, #tpu.memory_space<vmem>>, vector<128x128xf32>
    %dot_general3A_52 = arith.constant dense<0.000000e+00> : vector<80x128xf32>
    %dot_general3A_53 = tpu.matmul %dot_general3A_46, %get3A_51, %dot_general3A_52 {dimension_numbers = #tpu.dot_dimension_numbers<[1], [1], [0], [0], [0, 0, 1, 0], [], []>, transpose_lhs_hint = false} : vector<80x128xf32>, vector<128x128xf32>, vector<80x128xf32> -> vector<80x128xf32>
    %get3A_54 = arith.constant 0 : index
    %get3A_55 = arith.constant 0 : index
    %get3A_56 = vector.load %arg8[%get3A_54, %get3A_55] : memref<1x128xf32, #tpu.memory_space<vmem>>, vector<1x128xf32>
    %add3A_57 = vector.broadcast %get3A_56 : vector<1x128xf32> to vector<80x128xf32>
    %add3A_58 = arith.addf %dot_general3A_53, %add3A_57 : vector<80x128xf32>
    %tanh3A = math.tanh %add3A_58 : vector<80x128xf32>
    %reduce_sum3A_59 = arith.constant dense<0.000000e+00> : vector<128xf32>
    %reduce_sum3A_60 = vector.multi_reduction <add>, %tanh3A, %reduce_sum3A_59 [0] : vector<80x128xf32> to vector<128xf32>
    %broadcast_in_dim3A_61 = vector.shape_cast %reduce_sum3A_60 : vector<128xf32> to vector<1x128xf32>
    %eq3A = arith.constant 0 : i32
    %eq3A_62 = arith.cmpi eq, %arg0, %eq3A : i32
    %convert_element_type3A = arith.extui %eq3A_62 : i1 to i32
    %cond3A = arith.constant 0 : i32
    %cond3A_63 = arith.cmpi ne, %convert_element_type3A, %cond3A : i32
    scf.if %cond3A_63 {
      %broadcast_in_dim3A_73 = arith.constant 0.000000e+00 : f32
      %broadcast_in_dim3A_74 = vector.broadcast %broadcast_in_dim3A_73 : f32 to vector<8x128xf32>
      %swap3A_75 = arith.constant 0 : index
      %swap3A_76 = arith.constant 0 : index
      %swap3A_77 = vector.load %arg10[%swap3A_75, %swap3A_76] : memref<8x128xf32, #tpu.memory_space<vmem>>, vector<8x128xf32>
      tpu.vector_store %arg10[%swap3A_75, %swap3A_76], %broadcast_in_dim3A_74 {strides = array<i32>} : memref<8x128xf32, #tpu.memory_space<vmem>>, vector<8x128xf32>,
    } else {
    }
    %get3A_64 = arith.constant 0 : index
    %get3A_65 = arith.constant 0 : index
    %get3A_66 = vector.load %arg10[%get3A_64, %get3A_65] : memref<8x128xf32, #tpu.memory_space<vmem>>, vector<8x128xf32>
    %broadcast_in_dim3A_67 = vector.shape_cast %broadcast_in_dim3A_61 : vector<1x128xf32> to vector<1x128xf32>
    %broadcast_in_dim3A_68 = vector.broadcast %broadcast_in_dim3A_67 : vector<1x128xf32> to vector<8x128xf32>
    %add3A_69 = arith.addf %get3A_66, %broadcast_in_dim3A_68 : vector<8x128xf32>
    %swap3A_70 = arith.constant 0 : index
    %swap3A_71 = arith.constant 0 : index
    %swap3A_72 = vector.load %arg10[%swap3A_70, %swap3A_71] : memref<8x128xf32, #tpu.memory_space<vmem>>, vector<8x128xf32>
    tpu.vector_store %arg10[%swap3A_70, %swap3A_71], %add3A_69 {strides = array<i32>} : memref<8x128xf32, #tpu.memory_space<vmem>>, vector<8x128xf32>,
    return
  }
  func.func @transform_0(%arg0: i32) -> (i32, i32, i32) {
    %add3A = arith.constant 0 : i32
    %add3A_0 = arith.addi %add3A, %arg0 : i32
    %c0_i32 = arith.constant 0 : i32
    %c0_i32_1 = arith.constant 0 : i32
    %c0_i32_2 = arith.constant 0 : i32
    return %add3A_0, %c0_i32, %c0_i32_1 : i32, i32, i32
  }
  func.func @transform_1(%arg0: i32) -> (i32, i32, i32) {
    %add3A = arith.constant 125 : i32
    %add3A_0 = arith.addi %add3A, %arg0 : i32
    %c0_i32 = arith.constant 0 : i32
    %c0_i32_1 = arith.constant 0 : i32
    %c0_i32_2 = arith.constant 0 : i32
    return %add3A_0, %c0_i32, %c0_i32_1 : i32, i32, i32
  }
  func.func @transform_2(%arg0: i32) -> (i32, i32, i32) {
    %add3A = arith.constant 250 : i32
    %add3A_0 = arith.addi %add3A, %arg0 : i32
    %c0_i32 = arith.constant 0 : i32
    %c0_i32_1 = arith.constant 0 : i32
    %c0_i32_2 = arith.constant 0 : i32
    return %add3A_0, %c0_i32, %c0_i32_1 : i32, i32, i32
  }
  func.func @transform_3(%arg0: i32) -> (i32, i32) {
    %c0_i32 = arith.constant 0 : i32
    %c0_i32_0 = arith.constant 0 : i32
    return %arg0, %c0_i32 : i32, i32
  }
  func.func @transform_4(%arg0: i32) -> (i32, i32) {
    %c0_i32 = arith.constant 0 : i32
    %c0_i32_0 = arith.constant 0 : i32
    %c0_i32_1 = arith.constant 0 : i32
    return %c0_i32, %c0_i32_0 : i32, i32
  }
  func.func @transform_5(%arg0: i32) -> (i32, i32) {
    %c0_i32 = arith.constant 0 : i32
    %c0_i32_0 = arith.constant 0 : i32
    %c0_i32_1 = arith.constant 0 : i32
    return %c0_i32, %c0_i32_0 : i32, i32
  }
  func.func @transform_6(%arg0: i32) -> (i32, i32) {
    %c0_i32 = arith.constant 0 : i32
    %c0_i32_0 = arith.constant 0 : i32
    %c0_i32_1 = arith.constant 0 : i32
    return %c0_i32, %c0_i32_0 : i32, i32
  }
  func.func @transform_7(%arg0: i32) -> (i32, i32) {
    %c0_i32 = arith.constant 0 : i32
    %c0_i32_0 = arith.constant 0 : i32
    %c0_i32_1 = arith.constant 0 : i32
    return %c0_i32, %c0_i32_0 : i32, i32
  }
  func.func @transform_8(%arg0: i32) -> (i32, i32) {
    %c0_i32 = arith.constant 0 : i32
    %c0_i32_0 = arith.constant 0 : i32
    return %arg0, %c0_i32 : i32, i32
  }
  func.func @transform_9(%arg0: i32) -> (i32, i32) {
    %c0_i32 = arith.constant 0 : i32
    %c0_i32_0 = arith.constant 0 : i32
    %c0_i32_1 = arith.constant 0 : i32
    return %c0_i32, %c0_i32_0 : i32, i32
  }
}

module attributes {stable_mosaic.version = 14 : i64} {
  func.func @_mp_body(%arg0: i32, %arg1: memref<80x20x128xf32, #tpu.memory_space<vmem>>, %arg2: memref<80x20x128xf32, #tpu.memory_space<vmem>>, %arg3: memref<80x20x128xf32, #tpu.memory_space<vmem>>, %arg4: memref<80x20x128xf32, #tpu.memory_space<vmem>>, %arg5: memref<80x20x128xf32, #tpu.memory_space<vmem>>, %arg6: memref<80x128xf32, #tpu.memory_space<vmem>>, %arg7: memref<1x128xf32, #tpu.memory_space<vmem>>, %arg8: memref<128x128xf32, #tpu.memory_space<vmem>>, %arg9: memref<128x128xf32, #tpu.memory_space<vmem>>, %arg10: memref<1x128xf32, #tpu.memory_space<vmem>>, %arg11: memref<80x128xf32, #tpu.memory_space<vmem>>, %arg12: memref<8x128xf32, #tpu.memory_space<vmem>>) attributes {dimension_semantics = [#tpu.dimension_semantics<arbitrary>], iteration_bounds = array<i64: 125>, scalar_prefetch = 0 : i64, scratch_operands = 0 : i64, tpu.core_type = #tpu.core_type<tc>, window_params = [{transform_indices = @transform_0, window_bounds = array<i64: 80, 20, 128>}, {transform_indices = @transform_1, window_bounds = array<i64: 80, 20, 128>}, {transform_indices = @transform_2, window_bounds = array<i64: 80, 20, 128>}, {transform_indices = @transform_3, window_bounds = array<i64: 80, 20, 128>}, {transform_indices = @transform_4, window_bounds = array<i64: 80, 20, 128>}, {transform_indices = @transform_5, window_bounds = array<i64: 80, 128>}, {pipeline_mode = #tpu.pipeline_mode<synchronous>, transform_indices = @transform_6, window_bounds = array<i64: 1, 128>}, {pipeline_mode = #tpu.pipeline_mode<synchronous>, transform_indices = @transform_7, window_bounds = array<i64: 128, 128>}, {pipeline_mode = #tpu.pipeline_mode<synchronous>, transform_indices = @transform_8, window_bounds = array<i64: 128, 128>}, {pipeline_mode = #tpu.pipeline_mode<synchronous>, transform_indices = @transform_9, window_bounds = array<i64: 1, 128>}, {transform_indices = @transform_10, window_bounds = array<i64: 80, 128>}, {pipeline_mode = #tpu.pipeline_mode<synchronous>, transform_indices = @transform_11, window_bounds = array<i64: 8, 128>}]} {
    %get3A = arith.constant 0 : index
    %get3A_0 = arith.constant 0 : index
    %get3A_1 = arith.constant 0 : index
    %get3A_2 = vector.load %arg1[%get3A, %get3A_0, %get3A_1] : memref<80x20x128xf32, #tpu.memory_space<vmem>>, vector<80x20x128xf32>
    %get3A_3 = arith.constant 0 : index
    %get3A_4 = arith.constant 0 : index
    %get3A_5 = arith.constant 0 : index
    %get3A_6 = vector.load %arg2[%get3A_3, %get3A_4, %get3A_5] : memref<80x20x128xf32, #tpu.memory_space<vmem>>, vector<80x20x128xf32>
    %max3A = arith.maximumf %get3A_2, %get3A_6 : vector<80x20x128xf32>
    %get3A_7 = arith.constant 0 : index
    %get3A_8 = arith.constant 0 : index
    %get3A_9 = arith.constant 0 : index
    %get3A_10 = vector.load %arg3[%get3A_7, %get3A_8, %get3A_9] : memref<80x20x128xf32, #tpu.memory_space<vmem>>, vector<80x20x128xf32>
    %max3A_11 = arith.maximumf %max3A, %get3A_10 : vector<80x20x128xf32>
    %get3A_12 = arith.constant 0 : index
    %get3A_13 = arith.constant 0 : index
    %get3A_14 = arith.constant 0 : index
    %get3A_15 = vector.load %arg4[%get3A_12, %get3A_13, %get3A_14] : memref<80x20x128xf32, #tpu.memory_space<vmem>>, vector<80x20x128xf32>
    %max3A_16 = arith.maximumf %max3A_11, %get3A_15 : vector<80x20x128xf32>
    %get3A_17 = arith.constant 0 : index
    %get3A_18 = arith.constant 0 : index
    %get3A_19 = arith.constant 0 : index
    %get3A_20 = vector.load %arg5[%get3A_17, %get3A_18, %get3A_19] : memref<80x20x128xf32, #tpu.memory_space<vmem>>, vector<80x20x128xf32>
    %max3A_21 = arith.maximumf %max3A_16, %get3A_20 : vector<80x20x128xf32>
    %get3A_22 = arith.constant 0 : index
    %get3A_23 = arith.constant 0 : index
    %get3A_24 = vector.load %arg7[%get3A_22, %get3A_23] : memref<1x128xf32, #tpu.memory_space<vmem>>, vector<1x128xf32>
    %broadcast_in_dim3A = vector.shape_cast %get3A_24 : vector<1x128xf32> to vector<1x1x128xf32>
    %mul3A = vector.broadcast %broadcast_in_dim3A : vector<1x1x128xf32> to vector<80x20x128xf32>
    %mul3A_25 = arith.mulf %max3A_21, %mul3A : vector<80x20x128xf32>
    %reduce_sum3A = arith.constant dense<0.000000e+00> : vector<80x20xf32>
    %reduce_sum3A_26 = vector.multi_reduction <add>, %mul3A_25, %reduce_sum3A [2] : vector<80x20x128xf32> to vector<80x20xf32>
    %get3A_27 = arith.constant 0 : index
    %get3A_28 = arith.constant 0 : index
    %get3A_29 = vector.load %arg6[%get3A_27, %get3A_28] : memref<80x128xf32, #tpu.memory_space<vmem>>, vector<80x128xf32>
    %mul3A_30 = vector.broadcast %get3A_24 : vector<1x128xf32> to vector<80x128xf32>
    %mul3A_31 = arith.mulf %get3A_29, %mul3A_30 : vector<80x128xf32>
    %reduce_sum3A_32 = arith.constant dense<0.000000e+00> : vector<80xf32>
    %reduce_sum3A_33 = vector.multi_reduction <add>, %mul3A_31, %reduce_sum3A_32 [1] : vector<80x128xf32> to vector<80xf32>
    %broadcast_in_dim3A_34 = vector.shape_cast %reduce_sum3A_33 : vector<80xf32> to vector<80x1xf32>
    %add3A = vector.broadcast %broadcast_in_dim3A_34 : vector<80x1xf32> to vector<80x20xf32>
    %add3A_35 = arith.addf %reduce_sum3A_26, %add3A : vector<80x20xf32>
    %ge3A = arith.constant 0.000000e+00 : f32
    %ge3A_36 = vector.broadcast %ge3A : f32 to vector<80x20xf32>
    %ge3A_37 = arith.cmpf oge, %add3A_35, %ge3A_36 : vector<80x20xf32>
    %mul3A_38 = arith.constant 2.000000e-01 : f32
    %mul3A_39 = vector.broadcast %mul3A_38 : f32 to vector<80x20xf32>
    %mul3A_40 = arith.mulf %mul3A_39, %add3A_35 : vector<80x20xf32>
    %select_n3A = arith.select %ge3A_37, %add3A_35, %mul3A_40 : vector<80x20xi1>, vector<80x20xf32>
    %reduce_max3A = arith.constant dense<0xFF800000> : vector<80xf32>
    %reduce_max3A_41 = vector.multi_reduction <maximumf>, %select_n3A, %reduce_max3A [1] : vector<80x20xf32> to vector<80xf32>
    %broadcast_in_dim3A_42 = vector.shape_cast %reduce_max3A_41 : vector<80xf32> to vector<80x1xf32>
    %sub3A = vector.broadcast %broadcast_in_dim3A_42 : vector<80x1xf32> to vector<80x20xf32>
    %sub3A_43 = arith.subf %select_n3A, %sub3A : vector<80x20xf32>
    %exp3A = math.exp %sub3A_43 : vector<80x20xf32>
    %reduce_sum3A_44 = arith.constant dense<0.000000e+00> : vector<80xf32>
    %reduce_sum3A_45 = vector.multi_reduction <add>, %exp3A, %reduce_sum3A_44 [1] : vector<80x20xf32> to vector<80xf32>
    %broadcast_in_dim3A_46 = vector.shape_cast %reduce_sum3A_45 : vector<80xf32> to vector<80x1xf32>
    %div3A = vector.broadcast %broadcast_in_dim3A_46 : vector<80x1xf32> to vector<80x20xf32>
    %div3A_47 = arith.divf %exp3A, %div3A : vector<80x20xf32>
    %broadcast_in_dim3A_48 = vector.shape_cast %div3A_47 : vector<80x20xf32> to vector<80x20x1xf32>
    %mul3A_49 = vector.broadcast %broadcast_in_dim3A_48 : vector<80x20x1xf32> to vector<80x20x128xf32>
    %mul3A_50 = arith.mulf %max3A_21, %mul3A_49 : vector<80x20x128xf32>
    %reduce_sum3A_51 = arith.constant dense<0.000000e+00> : vector<80x128xf32>
    %reduce_sum3A_52 = vector.multi_reduction <add>, %mul3A_50, %reduce_sum3A_51 [1] : vector<80x20x128xf32> to vector<80x128xf32>
    %get3A_53 = arith.constant 0 : index
    %get3A_54 = arith.constant 0 : index
    %get3A_55 = vector.load %arg8[%get3A_53, %get3A_54] : memref<128x128xf32, #tpu.memory_space<vmem>>, vector<128x128xf32>
    %dot_general3A = arith.constant dense<0.000000e+00> : vector<80x128xf32>
    %dot_general3A_56 = tpu.matmul %reduce_sum3A_52, %get3A_55, %dot_general3A {dimension_numbers = #tpu.dot_dimension_numbers<[1], [1], [0], [0], [0, 0, 1, 0], [], []>, transpose_lhs_hint = false} : vector<80x128xf32>, vector<128x128xf32>, vector<80x128xf32> -> vector<80x128xf32>
    %swap3A = arith.constant 0 : index
    %swap3A_57 = arith.constant 0 : index
    %swap3A_58 = vector.load %arg11[%swap3A, %swap3A_57] : memref<80x128xf32, #tpu.memory_space<vmem>>, vector<80x128xf32>
    tpu.vector_store %arg11[%swap3A, %swap3A_57], %dot_general3A_56 {strides = array<i32>} : memref<80x128xf32, #tpu.memory_space<vmem>>, vector<80x128xf32>,
    %get3A_59 = arith.constant 0 : index
    %get3A_60 = arith.constant 0 : index
    %get3A_61 = vector.load %arg9[%get3A_59, %get3A_60] : memref<128x128xf32, #tpu.memory_space<vmem>>, vector<128x128xf32>
    %dot_general3A_62 = arith.constant dense<0.000000e+00> : vector<80x128xf32>
    %dot_general3A_63 = tpu.matmul %dot_general3A_56, %get3A_61, %dot_general3A_62 {dimension_numbers = #tpu.dot_dimension_numbers<[1], [1], [0], [0], [0, 0, 1, 0], [], []>, transpose_lhs_hint = false} : vector<80x128xf32>, vector<128x128xf32>, vector<80x128xf32> -> vector<80x128xf32>
    %get3A_64 = arith.constant 0 : index
    %get3A_65 = arith.constant 0 : index
    %get3A_66 = vector.load %arg10[%get3A_64, %get3A_65] : memref<1x128xf32, #tpu.memory_space<vmem>>, vector<1x128xf32>
    %add3A_67 = vector.broadcast %get3A_66 : vector<1x128xf32> to vector<80x128xf32>
    %add3A_68 = arith.addf %dot_general3A_63, %add3A_67 : vector<80x128xf32>
    %tanh3A = math.tanh %add3A_68 : vector<80x128xf32>
    %reduce_sum3A_69 = arith.constant dense<0.000000e+00> : vector<128xf32>
    %reduce_sum3A_70 = vector.multi_reduction <add>, %tanh3A, %reduce_sum3A_69 [0] : vector<80x128xf32> to vector<128xf32>
    %broadcast_in_dim3A_71 = vector.shape_cast %reduce_sum3A_70 : vector<128xf32> to vector<1x128xf32>
    %eq3A = arith.constant 0 : i32
    %eq3A_72 = arith.cmpi eq, %arg0, %eq3A : i32
    %convert_element_type3A = arith.extui %eq3A_72 : i1 to i32
    %cond3A = arith.constant 0 : i32
    %cond3A_73 = arith.cmpi ne, %convert_element_type3A, %cond3A : i32
    scf.if %cond3A_73 {
      %broadcast_in_dim3A_83 = arith.constant 0.000000e+00 : f32
      %broadcast_in_dim3A_84 = vector.broadcast %broadcast_in_dim3A_83 : f32 to vector<8x128xf32>
      %swap3A_85 = arith.constant 0 : index
      %swap3A_86 = arith.constant 0 : index
      %swap3A_87 = vector.load %arg12[%swap3A_85, %swap3A_86] : memref<8x128xf32, #tpu.memory_space<vmem>>, vector<8x128xf32>
      tpu.vector_store %arg12[%swap3A_85, %swap3A_86], %broadcast_in_dim3A_84 {strides = array<i32>} : memref<8x128xf32, #tpu.memory_space<vmem>>, vector<8x128xf32>,
    } else {
    }
    %get3A_74 = arith.constant 0 : index
    %get3A_75 = arith.constant 0 : index
    %get3A_76 = vector.load %arg12[%get3A_74, %get3A_75] : memref<8x128xf32, #tpu.memory_space<vmem>>, vector<8x128xf32>
    %broadcast_in_dim3A_77 = vector.shape_cast %broadcast_in_dim3A_71 : vector<1x128xf32> to vector<1x128xf32>
    %broadcast_in_dim3A_78 = vector.broadcast %broadcast_in_dim3A_77 : vector<1x128xf32> to vector<8x128xf32>
    %add3A_79 = arith.addf %get3A_76, %broadcast_in_dim3A_78 : vector<8x128xf32>
    %swap3A_80 = arith.constant 0 : index
    %swap3A_81 = arith.constant 0 : index
    %swap3A_82 = vector.load %arg12[%swap3A_80, %swap3A_81] : memref<8x128xf32, #tpu.memory_space<vmem>>, vector<8x128xf32>
    tpu.vector_store %arg12[%swap3A_80, %swap3A_81], %add3A_79 {strides = array<i32>} : memref<8x128xf32, #tpu.memory_space<vmem>>, vector<8x128xf32>,
    return
  }
  func.func @transform_0(%arg0: i32) -> (i32, i32, i32) {
    %add3A = arith.constant 375 : i32
    %add3A_0 = arith.addi %add3A, %arg0 : i32
    %c0_i32 = arith.constant 0 : i32
    %c0_i32_1 = arith.constant 0 : i32
    %c0_i32_2 = arith.constant 0 : i32
    return %add3A_0, %c0_i32, %c0_i32_1 : i32, i32, i32
  }
  func.func @transform_1(%arg0: i32) -> (i32, i32, i32) {
    %add3A = arith.constant 500 : i32
    %add3A_0 = arith.addi %add3A, %arg0 : i32
    %c0_i32 = arith.constant 0 : i32
    %c0_i32_1 = arith.constant 0 : i32
    %c0_i32_2 = arith.constant 0 : i32
    return %add3A_0, %c0_i32, %c0_i32_1 : i32, i32, i32
  }
  func.func @transform_2(%arg0: i32) -> (i32, i32, i32) {
    %add3A = arith.constant 625 : i32
    %add3A_0 = arith.addi %add3A, %arg0 : i32
    %c0_i32 = arith.constant 0 : i32
    %c0_i32_1 = arith.constant 0 : i32
    %c0_i32_2 = arith.constant 0 : i32
    return %add3A_0, %c0_i32, %c0_i32_1 : i32, i32, i32
  }
  func.func @transform_3(%arg0: i32) -> (i32, i32, i32) {
    %add3A = arith.constant 750 : i32
    %add3A_0 = arith.addi %add3A, %arg0 : i32
    %c0_i32 = arith.constant 0 : i32
    %c0_i32_1 = arith.constant 0 : i32
    %c0_i32_2 = arith.constant 0 : i32
    return %add3A_0, %c0_i32, %c0_i32_1 : i32, i32, i32
  }
  func.func @transform_4(%arg0: i32) -> (i32, i32, i32) {
    %add3A = arith.constant 875 : i32
    %add3A_0 = arith.addi %add3A, %arg0 : i32
    %c0_i32 = arith.constant 0 : i32
    %c0_i32_1 = arith.constant 0 : i32
    %c0_i32_2 = arith.constant 0 : i32
    return %add3A_0, %c0_i32, %c0_i32_1 : i32, i32, i32
  }
  func.func @transform_5(%arg0: i32) -> (i32, i32) {
    %c0_i32 = arith.constant 0 : i32
    %c0_i32_0 = arith.constant 0 : i32
    return %arg0, %c0_i32 : i32, i32
  }
  func.func @transform_6(%arg0: i32) -> (i32, i32) {
    %c0_i32 = arith.constant 0 : i32
    %c0_i32_0 = arith.constant 0 : i32
    %c0_i32_1 = arith.constant 0 : i32
    return %c0_i32, %c0_i32_0 : i32, i32
  }
  func.func @transform_7(%arg0: i32) -> (i32, i32) {
    %c0_i32 = arith.constant 0 : i32
    %c0_i32_0 = arith.constant 0 : i32
    %c0_i32_1 = arith.constant 0 : i32
    return %c0_i32, %c0_i32_0 : i32, i32
  }
  func.func @transform_8(%arg0: i32) -> (i32, i32) {
    %c0_i32 = arith.constant 0 : i32
    %c0_i32_0 = arith.constant 0 : i32
    %c0_i32_1 = arith.constant 0 : i32
    return %c0_i32, %c0_i32_0 : i32, i32
  }
  func.func @transform_9(%arg0: i32) -> (i32, i32) {
    %c0_i32 = arith.constant 0 : i32
    %c0_i32_0 = arith.constant 0 : i32
    %c0_i32_1 = arith.constant 0 : i32
    return %c0_i32, %c0_i32_0 : i32, i32
  }
  func.func @transform_10(%arg0: i32) -> (i32, i32) {
    %c0_i32 = arith.constant 0 : i32
    %c0_i32_0 = arith.constant 0 : i32
    return %arg0, %c0_i32 : i32, i32
  }
  func.func @transform_11(%arg0: i32) -> (i32, i32) {
    %c0_i32 = arith.constant 0 : i32
    %c0_i32_0 = arith.constant 0 : i32
    %c0_i32_1 = arith.constant 0 : i32
    return %c0_i32, %c0_i32_0 : i32, i32
  }
}

module attributes {stable_mosaic.version = 14 : i64} {
  func.func @_mp_body(%arg0: i32, %arg1: memref<80x20x128xf32, #tpu.memory_space<vmem>>, %arg2: memref<80x20x128xf32, #tpu.memory_space<vmem>>, %arg3: memref<80x20x128xf32, #tpu.memory_space<vmem>>, %arg4: memref<80x128xf32, #tpu.memory_space<vmem>>, %arg5: memref<1x128xf32, #tpu.memory_space<vmem>>, %arg6: memref<128x128xf32, #tpu.memory_space<vmem>>, %arg7: memref<128x128xf32, #tpu.memory_space<vmem>>, %arg8: memref<1x128xf32, #tpu.memory_space<vmem>>, %arg9: memref<80x128xf32, #tpu.memory_space<vmem>>, %arg10: memref<8x128xf32, #tpu.memory_space<vmem>>) attributes {dimension_semantics = [#tpu.dimension_semantics<arbitrary>], iteration_bounds = array<i64: 125>, scalar_prefetch = 0 : i64, scratch_operands = 0 : i64, tpu.core_type = #tpu.core_type<tc>, window_params = [{transform_indices = @transform_0, window_bounds = array<i64: 80, 20, 128>}, {transform_indices = @transform_1, window_bounds = array<i64: 80, 20, 128>}, {transform_indices = @transform_2, window_bounds = array<i64: 80, 20, 128>}, {transform_indices = @transform_3, window_bounds = array<i64: 80, 128>}, {pipeline_mode = #tpu.pipeline_mode<synchronous>, transform_indices = @transform_4, window_bounds = array<i64: 1, 128>}, {pipeline_mode = #tpu.pipeline_mode<synchronous>, transform_indices = @transform_5, window_bounds = array<i64: 128, 128>}, {pipeline_mode = #tpu.pipeline_mode<synchronous>, transform_indices = @transform_6, window_bounds = array<i64: 128, 128>}, {pipeline_mode = #tpu.pipeline_mode<synchronous>, transform_indices = @transform_7, window_bounds = array<i64: 1, 128>}, {transform_indices = @transform_8, window_bounds = array<i64: 80, 128>}, {pipeline_mode = #tpu.pipeline_mode<synchronous>, transform_indices = @transform_9, window_bounds = array<i64: 8, 128>}]} {
    %get3A = arith.constant 0 : index
    %get3A_0 = arith.constant 0 : index
    %get3A_1 = arith.constant 0 : index
    %get3A_2 = vector.load %arg1[%get3A, %get3A_0, %get3A_1] : memref<80x20x128xf32, #tpu.memory_space<vmem>>, vector<80x20x128xf32>
    %get3A_3 = arith.constant 0 : index
    %get3A_4 = arith.constant 0 : index
    %get3A_5 = arith.constant 0 : index
    %get3A_6 = vector.load %arg2[%get3A_3, %get3A_4, %get3A_5] : memref<80x20x128xf32, #tpu.memory_space<vmem>>, vector<80x20x128xf32>
    %max3A = arith.maximumf %get3A_2, %get3A_6 : vector<80x20x128xf32>
    %get3A_7 = arith.constant 0 : index
    %get3A_8 = arith.constant 0 : index
    %get3A_9 = arith.constant 0 : index
    %get3A_10 = vector.load %arg3[%get3A_7, %get3A_8, %get3A_9] : memref<80x20x128xf32, #tpu.memory_space<vmem>>, vector<80x20x128xf32>
    %max3A_11 = arith.maximumf %max3A, %get3A_10 : vector<80x20x128xf32>
    %get3A_12 = arith.constant 0 : index
    %get3A_13 = arith.constant 0 : index
    %get3A_14 = vector.load %arg5[%get3A_12, %get3A_13] : memref<1x128xf32, #tpu.memory_space<vmem>>, vector<1x128xf32>
    %broadcast_in_dim3A = vector.shape_cast %get3A_14 : vector<1x128xf32> to vector<1x1x128xf32>
    %mul3A = vector.broadcast %broadcast_in_dim3A : vector<1x1x128xf32> to vector<80x20x128xf32>
    %mul3A_15 = arith.mulf %max3A_11, %mul3A : vector<80x20x128xf32>
    %reduce_sum3A = arith.constant dense<0.000000e+00> : vector<80x20xf32>
    %reduce_sum3A_16 = vector.multi_reduction <add>, %mul3A_15, %reduce_sum3A [2] : vector<80x20x128xf32> to vector<80x20xf32>
    %get3A_17 = arith.constant 0 : index
    %get3A_18 = arith.constant 0 : index
    %get3A_19 = vector.load %arg4[%get3A_17, %get3A_18] : memref<80x128xf32, #tpu.memory_space<vmem>>, vector<80x128xf32>
    %mul3A_20 = vector.broadcast %get3A_14 : vector<1x128xf32> to vector<80x128xf32>
    %mul3A_21 = arith.mulf %get3A_19, %mul3A_20 : vector<80x128xf32>
    %reduce_sum3A_22 = arith.constant dense<0.000000e+00> : vector<80xf32>
    %reduce_sum3A_23 = vector.multi_reduction <add>, %mul3A_21, %reduce_sum3A_22 [1] : vector<80x128xf32> to vector<80xf32>
    %broadcast_in_dim3A_24 = vector.shape_cast %reduce_sum3A_23 : vector<80xf32> to vector<80x1xf32>
    %add3A = vector.broadcast %broadcast_in_dim3A_24 : vector<80x1xf32> to vector<80x20xf32>
    %add3A_25 = arith.addf %reduce_sum3A_16, %add3A : vector<80x20xf32>
    %ge3A = arith.constant 0.000000e+00 : f32
    %ge3A_26 = vector.broadcast %ge3A : f32 to vector<80x20xf32>
    %ge3A_27 = arith.cmpf oge, %add3A_25, %ge3A_26 : vector<80x20xf32>
    %mul3A_28 = arith.constant 2.000000e-01 : f32
    %mul3A_29 = vector.broadcast %mul3A_28 : f32 to vector<80x20xf32>
    %mul3A_30 = arith.mulf %mul3A_29, %add3A_25 : vector<80x20xf32>
    %select_n3A = arith.select %ge3A_27, %add3A_25, %mul3A_30 : vector<80x20xi1>, vector<80x20xf32>
    %reduce_max3A = arith.constant dense<0xFF800000> : vector<80xf32>
    %reduce_max3A_31 = vector.multi_reduction <maximumf>, %select_n3A, %reduce_max3A [1] : vector<80x20xf32> to vector<80xf32>
    %broadcast_in_dim3A_32 = vector.shape_cast %reduce_max3A_31 : vector<80xf32> to vector<80x1xf32>
    %sub3A = vector.broadcast %broadcast_in_dim3A_32 : vector<80x1xf32> to vector<80x20xf32>
    %sub3A_33 = arith.subf %select_n3A, %sub3A : vector<80x20xf32>
    %exp3A = math.exp %sub3A_33 : vector<80x20xf32>
    %reduce_sum3A_34 = arith.constant dense<0.000000e+00> : vector<80xf32>
    %reduce_sum3A_35 = vector.multi_reduction <add>, %exp3A, %reduce_sum3A_34 [1] : vector<80x20xf32> to vector<80xf32>
    %broadcast_in_dim3A_36 = vector.shape_cast %reduce_sum3A_35 : vector<80xf32> to vector<80x1xf32>
    %div3A = vector.broadcast %broadcast_in_dim3A_36 : vector<80x1xf32> to vector<80x20xf32>
    %div3A_37 = arith.divf %exp3A, %div3A : vector<80x20xf32>
    %broadcast_in_dim3A_38 = vector.shape_cast %div3A_37 : vector<80x20xf32> to vector<80x20x1xf32>
    %mul3A_39 = vector.broadcast %broadcast_in_dim3A_38 : vector<80x20x1xf32> to vector<80x20x128xf32>
    %mul3A_40 = arith.mulf %max3A_11, %mul3A_39 : vector<80x20x128xf32>
    %reduce_sum3A_41 = arith.constant dense<0.000000e+00> : vector<80x128xf32>
    %reduce_sum3A_42 = vector.multi_reduction <add>, %mul3A_40, %reduce_sum3A_41 [1] : vector<80x20x128xf32> to vector<80x128xf32>
    %get3A_43 = arith.constant 0 : index
    %get3A_44 = arith.constant 0 : index
    %get3A_45 = vector.load %arg6[%get3A_43, %get3A_44] : memref<128x128xf32, #tpu.memory_space<vmem>>, vector<128x128xf32>
    %dot_general3A = arith.constant dense<0.000000e+00> : vector<80x128xf32>
    %dot_general3A_46 = tpu.matmul %reduce_sum3A_42, %get3A_45, %dot_general3A {dimension_numbers = #tpu.dot_dimension_numbers<[1], [1], [0], [0], [0, 0, 1, 0], [], []>, transpose_lhs_hint = false} : vector<80x128xf32>, vector<128x128xf32>, vector<80x128xf32> -> vector<80x128xf32>
    %swap3A = arith.constant 0 : index
    %swap3A_47 = arith.constant 0 : index
    %swap3A_48 = vector.load %arg9[%swap3A, %swap3A_47] : memref<80x128xf32, #tpu.memory_space<vmem>>, vector<80x128xf32>
    tpu.vector_store %arg9[%swap3A, %swap3A_47], %dot_general3A_46 {strides = array<i32>} : memref<80x128xf32, #tpu.memory_space<vmem>>, vector<80x128xf32>,
    %get3A_49 = arith.constant 0 : index
    %get3A_50 = arith.constant 0 : index
    %get3A_51 = vector.load %arg7[%get3A_49, %get3A_50] : memref<128x128xf32, #tpu.memory_space<vmem>>, vector<128x128xf32>
    %dot_general3A_52 = arith.constant dense<0.000000e+00> : vector<80x128xf32>
    %dot_general3A_53 = tpu.matmul %dot_general3A_46, %get3A_51, %dot_general3A_52 {dimension_numbers = #tpu.dot_dimension_numbers<[1], [1], [0], [0], [0, 0, 1, 0], [], []>, transpose_lhs_hint = false} : vector<80x128xf32>, vector<128x128xf32>, vector<80x128xf32> -> vector<80x128xf32>
    %get3A_54 = arith.constant 0 : index
    %get3A_55 = arith.constant 0 : index
    %get3A_56 = vector.load %arg8[%get3A_54, %get3A_55] : memref<1x128xf32, #tpu.memory_space<vmem>>, vector<1x128xf32>
    %add3A_57 = vector.broadcast %get3A_56 : vector<1x128xf32> to vector<80x128xf32>
    %add3A_58 = arith.addf %dot_general3A_53, %add3A_57 : vector<80x128xf32>
    %tanh3A = math.tanh %add3A_58 : vector<80x128xf32>
    %reduce_sum3A_59 = arith.constant dense<0.000000e+00> : vector<128xf32>
    %reduce_sum3A_60 = vector.multi_reduction <add>, %tanh3A, %reduce_sum3A_59 [0] : vector<80x128xf32> to vector<128xf32>
    %broadcast_in_dim3A_61 = vector.shape_cast %reduce_sum3A_60 : vector<128xf32> to vector<1x128xf32>
    %eq3A = arith.constant 0 : i32
    %eq3A_62 = arith.cmpi eq, %arg0, %eq3A : i32
    %convert_element_type3A = arith.extui %eq3A_62 : i1 to i32
    %cond3A = arith.constant 0 : i32
    %cond3A_63 = arith.cmpi ne, %convert_element_type3A, %cond3A : i32
    scf.if %cond3A_63 {
      %broadcast_in_dim3A_73 = arith.constant 0.000000e+00 : f32
      %broadcast_in_dim3A_74 = vector.broadcast %broadcast_in_dim3A_73 : f32 to vector<8x128xf32>
      %swap3A_75 = arith.constant 0 : index
      %swap3A_76 = arith.constant 0 : index
      %swap3A_77 = vector.load %arg10[%swap3A_75, %swap3A_76] : memref<8x128xf32, #tpu.memory_space<vmem>>, vector<8x128xf32>
      tpu.vector_store %arg10[%swap3A_75, %swap3A_76], %broadcast_in_dim3A_74 {strides = array<i32>} : memref<8x128xf32, #tpu.memory_space<vmem>>, vector<8x128xf32>,
    } else {
    }
    %get3A_64 = arith.constant 0 : index
    %get3A_65 = arith.constant 0 : index
    %get3A_66 = vector.load %arg10[%get3A_64, %get3A_65] : memref<8x128xf32, #tpu.memory_space<vmem>>, vector<8x128xf32>
    %broadcast_in_dim3A_67 = vector.shape_cast %broadcast_in_dim3A_61 : vector<1x128xf32> to vector<1x128xf32>
    %broadcast_in_dim3A_68 = vector.broadcast %broadcast_in_dim3A_67 : vector<1x128xf32> to vector<8x128xf32>
    %add3A_69 = arith.addf %get3A_66, %broadcast_in_dim3A_68 : vector<8x128xf32>
    %swap3A_70 = arith.constant 0 : index
    %swap3A_71 = arith.constant 0 : index
    %swap3A_72 = vector.load %arg10[%swap3A_70, %swap3A_71] : memref<8x128xf32, #tpu.memory_space<vmem>>, vector<8x128xf32>
    tpu.vector_store %arg10[%swap3A_70, %swap3A_71], %add3A_69 {strides = array<i32>} : memref<8x128xf32, #tpu.memory_space<vmem>>, vector<8x128xf32>,
    return
  }
  func.func @transform_0(%arg0: i32) -> (i32, i32, i32) {
    %add3A = arith.constant 1000 : i32
    %add3A_0 = arith.addi %add3A, %arg0 : i32
    %c0_i32 = arith.constant 0 : i32
    %c0_i32_1 = arith.constant 0 : i32
    %c0_i32_2 = arith.constant 0 : i32
    return %add3A_0, %c0_i32, %c0_i32_1 : i32, i32, i32
  }
  func.func @transform_1(%arg0: i32) -> (i32, i32, i32) {
    %add3A = arith.constant 1125 : i32
    %add3A_0 = arith.addi %add3A, %arg0 : i32
    %c0_i32 = arith.constant 0 : i32
    %c0_i32_1 = arith.constant 0 : i32
    %c0_i32_2 = arith.constant 0 : i32
    return %add3A_0, %c0_i32, %c0_i32_1 : i32, i32, i32
  }
  func.func @transform_2(%arg0: i32) -> (i32, i32, i32) {
    %add3A = arith.constant 1250 : i32
    %add3A_0 = arith.addi %add3A, %arg0 : i32
    %c0_i32 = arith.constant 0 : i32
    %c0_i32_1 = arith.constant 0 : i32
    %c0_i32_2 = arith.constant 0 : i32
    return %add3A_0, %c0_i32, %c0_i32_1 : i32, i32, i32
  }
  func.func @transform_3(%arg0: i32) -> (i32, i32) {
    %c0_i32 = arith.constant 0 : i32
    %c0_i32_0 = arith.constant 0 : i32
    return %arg0, %c0_i32 : i32, i32
  }
  func.func @transform_4(%arg0: i32) -> (i32, i32) {
    %c0_i32 = arith.constant 0 : i32
    %c0_i32_0 = arith.constant 0 : i32
    %c0_i32_1 = arith.constant 0 : i32
    return %c0_i32, %c0_i32_0 : i32, i32
  }
  func.func @transform_5(%arg0: i32) -> (i32, i32) {
    %c0_i32 = arith.constant 0 : i32
    %c0_i32_0 = arith.constant 0 : i32
    %c0_i32_1 = arith.constant 0 : i32
    return %c0_i32, %c0_i32_0 : i32, i32
  }
  func.func @transform_6(%arg0: i32) -> (i32, i32) {
    %c0_i32 = arith.constant 0 : i32
    %c0_i32_0 = arith.constant 0 : i32
    %c0_i32_1 = arith.constant 0 : i32
    return %c0_i32, %c0_i32_0 : i32, i32
  }
  func.func @transform_7(%arg0: i32) -> (i32, i32) {
    %c0_i32 = arith.constant 0 : i32
    %c0_i32_0 = arith.constant 0 : i32
    %c0_i32_1 = arith.constant 0 : i32
    return %c0_i32, %c0_i32_0 : i32, i32
  }
  func.func @transform_8(%arg0: i32) -> (i32, i32) {
    %c0_i32 = arith.constant 0 : i32
    %c0_i32_0 = arith.constant 0 : i32
    return %arg0, %c0_i32 : i32, i32
  }
  func.func @transform_9(%arg0: i32) -> (i32, i32) {
    %c0_i32 = arith.constant 0 : i32
    %c0_i32_0 = arith.constant 0 : i32
    %c0_i32_1 = arith.constant 0 : i32
    return %c0_i32, %c0_i32_0 : i32, i32
  }
}

module attributes {stable_mosaic.version = 14 : i64} {
  func.func @_mp_body(%arg0: i32, %arg1: memref<80x20x128xf32, #tpu.memory_space<vmem>>, %arg2: memref<80x20x128xf32, #tpu.memory_space<vmem>>, %arg3: memref<80x20x128xf32, #tpu.memory_space<vmem>>, %arg4: memref<80x128xf32, #tpu.memory_space<vmem>>, %arg5: memref<1x128xf32, #tpu.memory_space<vmem>>, %arg6: memref<128x128xf32, #tpu.memory_space<vmem>>, %arg7: memref<128x128xf32, #tpu.memory_space<vmem>>, %arg8: memref<1x128xf32, #tpu.memory_space<vmem>>, %arg9: memref<80x128xf32, #tpu.memory_space<vmem>>, %arg10: memref<8x128xf32, #tpu.memory_space<vmem>>) attributes {dimension_semantics = [#tpu.dimension_semantics<arbitrary>], iteration_bounds = array<i64: 125>, scalar_prefetch = 0 : i64, scratch_operands = 0 : i64, tpu.core_type = #tpu.core_type<tc>, window_params = [{transform_indices = @transform_0, window_bounds = array<i64: 80, 20, 128>}, {transform_indices = @transform_1, window_bounds = array<i64: 80, 20, 128>}, {transform_indices = @transform_2, window_bounds = array<i64: 80, 20, 128>}, {transform_indices = @transform_3, window_bounds = array<i64: 80, 128>}, {pipeline_mode = #tpu.pipeline_mode<synchronous>, transform_indices = @transform_4, window_bounds = array<i64: 1, 128>}, {pipeline_mode = #tpu.pipeline_mode<synchronous>, transform_indices = @transform_5, window_bounds = array<i64: 128, 128>}, {pipeline_mode = #tpu.pipeline_mode<synchronous>, transform_indices = @transform_6, window_bounds = array<i64: 128, 128>}, {pipeline_mode = #tpu.pipeline_mode<synchronous>, transform_indices = @transform_7, window_bounds = array<i64: 1, 128>}, {transform_indices = @transform_8, window_bounds = array<i64: 80, 128>}, {pipeline_mode = #tpu.pipeline_mode<synchronous>, transform_indices = @transform_9, window_bounds = array<i64: 8, 128>}]} {
    %get3A = arith.constant 0 : index
    %get3A_0 = arith.constant 0 : index
    %get3A_1 = arith.constant 0 : index
    %get3A_2 = vector.load %arg1[%get3A, %get3A_0, %get3A_1] : memref<80x20x128xf32, #tpu.memory_space<vmem>>, vector<80x20x128xf32>
    %get3A_3 = arith.constant 0 : index
    %get3A_4 = arith.constant 0 : index
    %get3A_5 = arith.constant 0 : index
    %get3A_6 = vector.load %arg2[%get3A_3, %get3A_4, %get3A_5] : memref<80x20x128xf32, #tpu.memory_space<vmem>>, vector<80x20x128xf32>
    %max3A = arith.maximumf %get3A_2, %get3A_6 : vector<80x20x128xf32>
    %get3A_7 = arith.constant 0 : index
    %get3A_8 = arith.constant 0 : index
    %get3A_9 = arith.constant 0 : index
    %get3A_10 = vector.load %arg3[%get3A_7, %get3A_8, %get3A_9] : memref<80x20x128xf32, #tpu.memory_space<vmem>>, vector<80x20x128xf32>
    %max3A_11 = arith.maximumf %max3A, %get3A_10 : vector<80x20x128xf32>
    %get3A_12 = arith.constant 0 : index
    %get3A_13 = arith.constant 0 : index
    %get3A_14 = vector.load %arg5[%get3A_12, %get3A_13] : memref<1x128xf32, #tpu.memory_space<vmem>>, vector<1x128xf32>
    %broadcast_in_dim3A = vector.shape_cast %get3A_14 : vector<1x128xf32> to vector<1x1x128xf32>
    %mul3A = vector.broadcast %broadcast_in_dim3A : vector<1x1x128xf32> to vector<80x20x128xf32>
    %mul3A_15 = arith.mulf %max3A_11, %mul3A : vector<80x20x128xf32>
    %reduce_sum3A = arith.constant dense<0.000000e+00> : vector<80x20xf32>
    %reduce_sum3A_16 = vector.multi_reduction <add>, %mul3A_15, %reduce_sum3A [2] : vector<80x20x128xf32> to vector<80x20xf32>
    %get3A_17 = arith.constant 0 : index
    %get3A_18 = arith.constant 0 : index
    %get3A_19 = vector.load %arg4[%get3A_17, %get3A_18] : memref<80x128xf32, #tpu.memory_space<vmem>>, vector<80x128xf32>
    %mul3A_20 = vector.broadcast %get3A_14 : vector<1x128xf32> to vector<80x128xf32>
    %mul3A_21 = arith.mulf %get3A_19, %mul3A_20 : vector<80x128xf32>
    %reduce_sum3A_22 = arith.constant dense<0.000000e+00> : vector<80xf32>
    %reduce_sum3A_23 = vector.multi_reduction <add>, %mul3A_21, %reduce_sum3A_22 [1] : vector<80x128xf32> to vector<80xf32>
    %broadcast_in_dim3A_24 = vector.shape_cast %reduce_sum3A_23 : vector<80xf32> to vector<80x1xf32>
    %add3A = vector.broadcast %broadcast_in_dim3A_24 : vector<80x1xf32> to vector<80x20xf32>
    %add3A_25 = arith.addf %reduce_sum3A_16, %add3A : vector<80x20xf32>
    %ge3A = arith.constant 0.000000e+00 : f32
    %ge3A_26 = vector.broadcast %ge3A : f32 to vector<80x20xf32>
    %ge3A_27 = arith.cmpf oge, %add3A_25, %ge3A_26 : vector<80x20xf32>
    %mul3A_28 = arith.constant 2.000000e-01 : f32
    %mul3A_29 = vector.broadcast %mul3A_28 : f32 to vector<80x20xf32>
    %mul3A_30 = arith.mulf %mul3A_29, %add3A_25 : vector<80x20xf32>
    %select_n3A = arith.select %ge3A_27, %add3A_25, %mul3A_30 : vector<80x20xi1>, vector<80x20xf32>
    %reduce_max3A = arith.constant dense<0xFF800000> : vector<80xf32>
    %reduce_max3A_31 = vector.multi_reduction <maximumf>, %select_n3A, %reduce_max3A [1] : vector<80x20xf32> to vector<80xf32>
    %broadcast_in_dim3A_32 = vector.shape_cast %reduce_max3A_31 : vector<80xf32> to vector<80x1xf32>
    %sub3A = vector.broadcast %broadcast_in_dim3A_32 : vector<80x1xf32> to vector<80x20xf32>
    %sub3A_33 = arith.subf %select_n3A, %sub3A : vector<80x20xf32>
    %exp3A = math.exp %sub3A_33 : vector<80x20xf32>
    %reduce_sum3A_34 = arith.constant dense<0.000000e+00> : vector<80xf32>
    %reduce_sum3A_35 = vector.multi_reduction <add>, %exp3A, %reduce_sum3A_34 [1] : vector<80x20xf32> to vector<80xf32>
    %broadcast_in_dim3A_36 = vector.shape_cast %reduce_sum3A_35 : vector<80xf32> to vector<80x1xf32>
    %div3A = vector.broadcast %broadcast_in_dim3A_36 : vector<80x1xf32> to vector<80x20xf32>
    %div3A_37 = arith.divf %exp3A, %div3A : vector<80x20xf32>
    %broadcast_in_dim3A_38 = vector.shape_cast %div3A_37 : vector<80x20xf32> to vector<80x20x1xf32>
    %mul3A_39 = vector.broadcast %broadcast_in_dim3A_38 : vector<80x20x1xf32> to vector<80x20x128xf32>
    %mul3A_40 = arith.mulf %max3A_11, %mul3A_39 : vector<80x20x128xf32>
    %reduce_sum3A_41 = arith.constant dense<0.000000e+00> : vector<80x128xf32>
    %reduce_sum3A_42 = vector.multi_reduction <add>, %mul3A_40, %reduce_sum3A_41 [1] : vector<80x20x128xf32> to vector<80x128xf32>
    %get3A_43 = arith.constant 0 : index
    %get3A_44 = arith.constant 0 : index
    %get3A_45 = vector.load %arg6[%get3A_43, %get3A_44] : memref<128x128xf32, #tpu.memory_space<vmem>>, vector<128x128xf32>
    %dot_general3A = arith.constant dense<0.000000e+00> : vector<80x128xf32>
    %dot_general3A_46 = tpu.matmul %reduce_sum3A_42, %get3A_45, %dot_general3A {dimension_numbers = #tpu.dot_dimension_numbers<[1], [1], [0], [0], [0, 0, 1, 0], [], []>, transpose_lhs_hint = false} : vector<80x128xf32>, vector<128x128xf32>, vector<80x128xf32> -> vector<80x128xf32>
    %swap3A = arith.constant 0 : index
    %swap3A_47 = arith.constant 0 : index
    %swap3A_48 = vector.load %arg9[%swap3A, %swap3A_47] : memref<80x128xf32, #tpu.memory_space<vmem>>, vector<80x128xf32>
    tpu.vector_store %arg9[%swap3A, %swap3A_47], %dot_general3A_46 {strides = array<i32>} : memref<80x128xf32, #tpu.memory_space<vmem>>, vector<80x128xf32>,
    %get3A_49 = arith.constant 0 : index
    %get3A_50 = arith.constant 0 : index
    %get3A_51 = vector.load %arg7[%get3A_49, %get3A_50] : memref<128x128xf32, #tpu.memory_space<vmem>>, vector<128x128xf32>
    %dot_general3A_52 = arith.constant dense<0.000000e+00> : vector<80x128xf32>
    %dot_general3A_53 = tpu.matmul %dot_general3A_46, %get3A_51, %dot_general3A_52 {dimension_numbers = #tpu.dot_dimension_numbers<[1], [1], [0], [0], [0, 0, 1, 0], [], []>, transpose_lhs_hint = false} : vector<80x128xf32>, vector<128x128xf32>, vector<80x128xf32> -> vector<80x128xf32>
    %get3A_54 = arith.constant 0 : index
    %get3A_55 = arith.constant 0 : index
    %get3A_56 = vector.load %arg8[%get3A_54, %get3A_55] : memref<1x128xf32, #tpu.memory_space<vmem>>, vector<1x128xf32>
    %add3A_57 = vector.broadcast %get3A_56 : vector<1x128xf32> to vector<80x128xf32>
    %add3A_58 = arith.addf %dot_general3A_53, %add3A_57 : vector<80x128xf32>
    %tanh3A = math.tanh %add3A_58 : vector<80x128xf32>
    %reduce_sum3A_59 = arith.constant dense<0.000000e+00> : vector<128xf32>
    %reduce_sum3A_60 = vector.multi_reduction <add>, %tanh3A, %reduce_sum3A_59 [0] : vector<80x128xf32> to vector<128xf32>
    %broadcast_in_dim3A_61 = vector.shape_cast %reduce_sum3A_60 : vector<128xf32> to vector<1x128xf32>
    %eq3A = arith.constant 0 : i32
    %eq3A_62 = arith.cmpi eq, %arg0, %eq3A : i32
    %convert_element_type3A = arith.extui %eq3A_62 : i1 to i32
    %cond3A = arith.constant 0 : i32
    %cond3A_63 = arith.cmpi ne, %convert_element_type3A, %cond3A : i32
    scf.if %cond3A_63 {
      %broadcast_in_dim3A_73 = arith.constant 0.000000e+00 : f32
      %broadcast_in_dim3A_74 = vector.broadcast %broadcast_in_dim3A_73 : f32 to vector<8x128xf32>
      %swap3A_75 = arith.constant 0 : index
      %swap3A_76 = arith.constant 0 : index
      %swap3A_77 = vector.load %arg10[%swap3A_75, %swap3A_76] : memref<8x128xf32, #tpu.memory_space<vmem>>, vector<8x128xf32>
      tpu.vector_store %arg10[%swap3A_75, %swap3A_76], %broadcast_in_dim3A_74 {strides = array<i32>} : memref<8x128xf32, #tpu.memory_space<vmem>>, vector<8x128xf32>,
    } else {
    }
    %get3A_64 = arith.constant 0 : index
    %get3A_65 = arith.constant 0 : index
    %get3A_66 = vector.load %arg10[%get3A_64, %get3A_65] : memref<8x128xf32, #tpu.memory_space<vmem>>, vector<8x128xf32>
    %broadcast_in_dim3A_67 = vector.shape_cast %broadcast_in_dim3A_61 : vector<1x128xf32> to vector<1x128xf32>
    %broadcast_in_dim3A_68 = vector.broadcast %broadcast_in_dim3A_67 : vector<1x128xf32> to vector<8x128xf32>
    %add3A_69 = arith.addf %get3A_66, %broadcast_in_dim3A_68 : vector<8x128xf32>
    %swap3A_70 = arith.constant 0 : index
    %swap3A_71 = arith.constant 0 : index
    %swap3A_72 = vector.load %arg10[%swap3A_70, %swap3A_71] : memref<8x128xf32, #tpu.memory_space<vmem>>, vector<8x128xf32>
    tpu.vector_store %arg10[%swap3A_70, %swap3A_71], %add3A_69 {strides = array<i32>} : memref<8x128xf32, #tpu.memory_space<vmem>>, vector<8x128xf32>,
    return
  }
  func.func @transform_0(%arg0: i32) -> (i32, i32, i32) {
    %add3A = arith.constant 1375 : i32
    %add3A_0 = arith.addi %add3A, %arg0 : i32
    %c0_i32 = arith.constant 0 : i32
    %c0_i32_1 = arith.constant 0 : i32
    %c0_i32_2 = arith.constant 0 : i32
    return %add3A_0, %c0_i32, %c0_i32_1 : i32, i32, i32
  }
  func.func @transform_1(%arg0: i32) -> (i32, i32, i32) {
    %add3A = arith.constant 1500 : i32
    %add3A_0 = arith.addi %add3A, %arg0 : i32
    %c0_i32 = arith.constant 0 : i32
    %c0_i32_1 = arith.constant 0 : i32
    %c0_i32_2 = arith.constant 0 : i32
    return %add3A_0, %c0_i32, %c0_i32_1 : i32, i32, i32
  }
  func.func @transform_2(%arg0: i32) -> (i32, i32, i32) {
    %add3A = arith.constant 1625 : i32
    %add3A_0 = arith.addi %add3A, %arg0 : i32
    %c0_i32 = arith.constant 0 : i32
    %c0_i32_1 = arith.constant 0 : i32
    %c0_i32_2 = arith.constant 0 : i32
    return %add3A_0, %c0_i32, %c0_i32_1 : i32, i32, i32
  }
  func.func @transform_3(%arg0: i32) -> (i32, i32) {
    %c0_i32 = arith.constant 0 : i32
    %c0_i32_0 = arith.constant 0 : i32
    return %arg0, %c0_i32 : i32, i32
  }
  func.func @transform_4(%arg0: i32) -> (i32, i32) {
    %c0_i32 = arith.constant 0 : i32
    %c0_i32_0 = arith.constant 0 : i32
    %c0_i32_1 = arith.constant 0 : i32
    return %c0_i32, %c0_i32_0 : i32, i32
  }
  func.func @transform_5(%arg0: i32) -> (i32, i32) {
    %c0_i32 = arith.constant 0 : i32
    %c0_i32_0 = arith.constant 0 : i32
    %c0_i32_1 = arith.constant 0 : i32
    return %c0_i32, %c0_i32_0 : i32, i32
  }
  func.func @transform_6(%arg0: i32) -> (i32, i32) {
    %c0_i32 = arith.constant 0 : i32
    %c0_i32_0 = arith.constant 0 : i32
    %c0_i32_1 = arith.constant 0 : i32
    return %c0_i32, %c0_i32_0 : i32, i32
  }
  func.func @transform_7(%arg0: i32) -> (i32, i32) {
    %c0_i32 = arith.constant 0 : i32
    %c0_i32_0 = arith.constant 0 : i32
    %c0_i32_1 = arith.constant 0 : i32
    return %c0_i32, %c0_i32_0 : i32, i32
  }
  func.func @transform_8(%arg0: i32) -> (i32, i32) {
    %c0_i32 = arith.constant 0 : i32
    %c0_i32_0 = arith.constant 0 : i32
    return %arg0, %c0_i32 : i32, i32
  }
  func.func @transform_9(%arg0: i32) -> (i32, i32) {
    %c0_i32 = arith.constant 0 : i32
    %c0_i32_0 = arith.constant 0 : i32
    %c0_i32_1 = arith.constant 0 : i32
    return %c0_i32, %c0_i32_0 : i32, i32
  }
}

module attributes {stable_mosaic.version = 14 : i64} {
  func.func @_mp_body(%arg0: i32, %arg1: memref<80x20x128xf32, #tpu.memory_space<vmem>>, %arg2: memref<80x20x128xf32, #tpu.memory_space<vmem>>, %arg3: memref<80x20x128xf32, #tpu.memory_space<vmem>>, %arg4: memref<80x20x128xf32, #tpu.memory_space<vmem>>, %arg5: memref<80x128xf32, #tpu.memory_space<vmem>>, %arg6: memref<1x128xf32, #tpu.memory_space<vmem>>, %arg7: memref<128x128xf32, #tpu.memory_space<vmem>>, %arg8: memref<128x128xf32, #tpu.memory_space<vmem>>, %arg9: memref<1x128xf32, #tpu.memory_space<vmem>>, %arg10: memref<80x128xf32, #tpu.memory_space<vmem>>, %arg11: memref<8x128xf32, #tpu.memory_space<vmem>>) attributes {dimension_semantics = [#tpu.dimension_semantics<arbitrary>], iteration_bounds = array<i64: 125>, scalar_prefetch = 0 : i64, scratch_operands = 0 : i64, tpu.core_type = #tpu.core_type<tc>, window_params = [{transform_indices = @transform_0, window_bounds = array<i64: 80, 20, 128>}, {transform_indices = @transform_1, window_bounds = array<i64: 80, 20, 128>}, {transform_indices = @transform_2, window_bounds = array<i64: 80, 20, 128>}, {transform_indices = @transform_3, window_bounds = array<i64: 80, 20, 128>}, {transform_indices = @transform_4, window_bounds = array<i64: 80, 128>}, {pipeline_mode = #tpu.pipeline_mode<synchronous>, transform_indices = @transform_5, window_bounds = array<i64: 1, 128>}, {pipeline_mode = #tpu.pipeline_mode<synchronous>, transform_indices = @transform_6, window_bounds = array<i64: 128, 128>}, {pipeline_mode = #tpu.pipeline_mode<synchronous>, transform_indices = @transform_7, window_bounds = array<i64: 128, 128>}, {pipeline_mode = #tpu.pipeline_mode<synchronous>, transform_indices = @transform_8, window_bounds = array<i64: 1, 128>}, {transform_indices = @transform_9, window_bounds = array<i64: 80, 128>}, {pipeline_mode = #tpu.pipeline_mode<synchronous>, transform_indices = @transform_10, window_bounds = array<i64: 8, 128>}]} {
    %get3A = arith.constant 0 : index
    %get3A_0 = arith.constant 0 : index
    %get3A_1 = arith.constant 0 : index
    %get3A_2 = vector.load %arg1[%get3A, %get3A_0, %get3A_1] : memref<80x20x128xf32, #tpu.memory_space<vmem>>, vector<80x20x128xf32>
    %get3A_3 = arith.constant 0 : index
    %get3A_4 = arith.constant 0 : index
    %get3A_5 = arith.constant 0 : index
    %get3A_6 = vector.load %arg2[%get3A_3, %get3A_4, %get3A_5] : memref<80x20x128xf32, #tpu.memory_space<vmem>>, vector<80x20x128xf32>
    %max3A = arith.maximumf %get3A_2, %get3A_6 : vector<80x20x128xf32>
    %get3A_7 = arith.constant 0 : index
    %get3A_8 = arith.constant 0 : index
    %get3A_9 = arith.constant 0 : index
    %get3A_10 = vector.load %arg3[%get3A_7, %get3A_8, %get3A_9] : memref<80x20x128xf32, #tpu.memory_space<vmem>>, vector<80x20x128xf32>
    %max3A_11 = arith.maximumf %max3A, %get3A_10 : vector<80x20x128xf32>
    %get3A_12 = arith.constant 0 : index
    %get3A_13 = arith.constant 0 : index
    %get3A_14 = arith.constant 0 : index
    %get3A_15 = vector.load %arg4[%get3A_12, %get3A_13, %get3A_14] : memref<80x20x128xf32, #tpu.memory_space<vmem>>, vector<80x20x128xf32>
    %max3A_16 = arith.maximumf %max3A_11, %get3A_15 : vector<80x20x128xf32>
    %get3A_17 = arith.constant 0 : index
    %get3A_18 = arith.constant 0 : index
    %get3A_19 = vector.load %arg6[%get3A_17, %get3A_18] : memref<1x128xf32, #tpu.memory_space<vmem>>, vector<1x128xf32>
    %broadcast_in_dim3A = vector.shape_cast %get3A_19 : vector<1x128xf32> to vector<1x1x128xf32>
    %mul3A = vector.broadcast %broadcast_in_dim3A : vector<1x1x128xf32> to vector<80x20x128xf32>
    %mul3A_20 = arith.mulf %max3A_16, %mul3A : vector<80x20x128xf32>
    %reduce_sum3A = arith.constant dense<0.000000e+00> : vector<80x20xf32>
    %reduce_sum3A_21 = vector.multi_reduction <add>, %mul3A_20, %reduce_sum3A [2] : vector<80x20x128xf32> to vector<80x20xf32>
    %get3A_22 = arith.constant 0 : index
    %get3A_23 = arith.constant 0 : index
    %get3A_24 = vector.load %arg5[%get3A_22, %get3A_23] : memref<80x128xf32, #tpu.memory_space<vmem>>, vector<80x128xf32>
    %mul3A_25 = vector.broadcast %get3A_19 : vector<1x128xf32> to vector<80x128xf32>
    %mul3A_26 = arith.mulf %get3A_24, %mul3A_25 : vector<80x128xf32>
    %reduce_sum3A_27 = arith.constant dense<0.000000e+00> : vector<80xf32>
    %reduce_sum3A_28 = vector.multi_reduction <add>, %mul3A_26, %reduce_sum3A_27 [1] : vector<80x128xf32> to vector<80xf32>
    %broadcast_in_dim3A_29 = vector.shape_cast %reduce_sum3A_28 : vector<80xf32> to vector<80x1xf32>
    %add3A = vector.broadcast %broadcast_in_dim3A_29 : vector<80x1xf32> to vector<80x20xf32>
    %add3A_30 = arith.addf %reduce_sum3A_21, %add3A : vector<80x20xf32>
    %ge3A = arith.constant 0.000000e+00 : f32
    %ge3A_31 = vector.broadcast %ge3A : f32 to vector<80x20xf32>
    %ge3A_32 = arith.cmpf oge, %add3A_30, %ge3A_31 : vector<80x20xf32>
    %mul3A_33 = arith.constant 2.000000e-01 : f32
    %mul3A_34 = vector.broadcast %mul3A_33 : f32 to vector<80x20xf32>
    %mul3A_35 = arith.mulf %mul3A_34, %add3A_30 : vector<80x20xf32>
    %select_n3A = arith.select %ge3A_32, %add3A_30, %mul3A_35 : vector<80x20xi1>, vector<80x20xf32>
    %reduce_max3A = arith.constant dense<0xFF800000> : vector<80xf32>
    %reduce_max3A_36 = vector.multi_reduction <maximumf>, %select_n3A, %reduce_max3A [1] : vector<80x20xf32> to vector<80xf32>
    %broadcast_in_dim3A_37 = vector.shape_cast %reduce_max3A_36 : vector<80xf32> to vector<80x1xf32>
    %sub3A = vector.broadcast %broadcast_in_dim3A_37 : vector<80x1xf32> to vector<80x20xf32>
    %sub3A_38 = arith.subf %select_n3A, %sub3A : vector<80x20xf32>
    %exp3A = math.exp %sub3A_38 : vector<80x20xf32>
    %reduce_sum3A_39 = arith.constant dense<0.000000e+00> : vector<80xf32>
    %reduce_sum3A_40 = vector.multi_reduction <add>, %exp3A, %reduce_sum3A_39 [1] : vector<80x20xf32> to vector<80xf32>
    %broadcast_in_dim3A_41 = vector.shape_cast %reduce_sum3A_40 : vector<80xf32> to vector<80x1xf32>
    %div3A = vector.broadcast %broadcast_in_dim3A_41 : vector<80x1xf32> to vector<80x20xf32>
    %div3A_42 = arith.divf %exp3A, %div3A : vector<80x20xf32>
    %broadcast_in_dim3A_43 = vector.shape_cast %div3A_42 : vector<80x20xf32> to vector<80x20x1xf32>
    %mul3A_44 = vector.broadcast %broadcast_in_dim3A_43 : vector<80x20x1xf32> to vector<80x20x128xf32>
    %mul3A_45 = arith.mulf %max3A_16, %mul3A_44 : vector<80x20x128xf32>
    %reduce_sum3A_46 = arith.constant dense<0.000000e+00> : vector<80x128xf32>
    %reduce_sum3A_47 = vector.multi_reduction <add>, %mul3A_45, %reduce_sum3A_46 [1] : vector<80x20x128xf32> to vector<80x128xf32>
    %get3A_48 = arith.constant 0 : index
    %get3A_49 = arith.constant 0 : index
    %get3A_50 = vector.load %arg7[%get3A_48, %get3A_49] : memref<128x128xf32, #tpu.memory_space<vmem>>, vector<128x128xf32>
    %dot_general3A = arith.constant dense<0.000000e+00> : vector<80x128xf32>
    %dot_general3A_51 = tpu.matmul %reduce_sum3A_47, %get3A_50, %dot_general3A {dimension_numbers = #tpu.dot_dimension_numbers<[1], [1], [0], [0], [0, 0, 1, 0], [], []>, transpose_lhs_hint = false} : vector<80x128xf32>, vector<128x128xf32>, vector<80x128xf32> -> vector<80x128xf32>
    %swap3A = arith.constant 0 : index
    %swap3A_52 = arith.constant 0 : index
    %swap3A_53 = vector.load %arg10[%swap3A, %swap3A_52] : memref<80x128xf32, #tpu.memory_space<vmem>>, vector<80x128xf32>
    tpu.vector_store %arg10[%swap3A, %swap3A_52], %dot_general3A_51 {strides = array<i32>} : memref<80x128xf32, #tpu.memory_space<vmem>>, vector<80x128xf32>,
    %get3A_54 = arith.constant 0 : index
    %get3A_55 = arith.constant 0 : index
    %get3A_56 = vector.load %arg8[%get3A_54, %get3A_55] : memref<128x128xf32, #tpu.memory_space<vmem>>, vector<128x128xf32>
    %dot_general3A_57 = arith.constant dense<0.000000e+00> : vector<80x128xf32>
    %dot_general3A_58 = tpu.matmul %dot_general3A_51, %get3A_56, %dot_general3A_57 {dimension_numbers = #tpu.dot_dimension_numbers<[1], [1], [0], [0], [0, 0, 1, 0], [], []>, transpose_lhs_hint = false} : vector<80x128xf32>, vector<128x128xf32>, vector<80x128xf32> -> vector<80x128xf32>
    %get3A_59 = arith.constant 0 : index
    %get3A_60 = arith.constant 0 : index
    %get3A_61 = vector.load %arg9[%get3A_59, %get3A_60] : memref<1x128xf32, #tpu.memory_space<vmem>>, vector<1x128xf32>
    %add3A_62 = vector.broadcast %get3A_61 : vector<1x128xf32> to vector<80x128xf32>
    %add3A_63 = arith.addf %dot_general3A_58, %add3A_62 : vector<80x128xf32>
    %tanh3A = math.tanh %add3A_63 : vector<80x128xf32>
    %reduce_sum3A_64 = arith.constant dense<0.000000e+00> : vector<128xf32>
    %reduce_sum3A_65 = vector.multi_reduction <add>, %tanh3A, %reduce_sum3A_64 [0] : vector<80x128xf32> to vector<128xf32>
    %broadcast_in_dim3A_66 = vector.shape_cast %reduce_sum3A_65 : vector<128xf32> to vector<1x128xf32>
    %eq3A = arith.constant 0 : i32
    %eq3A_67 = arith.cmpi eq, %arg0, %eq3A : i32
    %convert_element_type3A = arith.extui %eq3A_67 : i1 to i32
    %cond3A = arith.constant 0 : i32
    %cond3A_68 = arith.cmpi ne, %convert_element_type3A, %cond3A : i32
    scf.if %cond3A_68 {
      %broadcast_in_dim3A_78 = arith.constant 0.000000e+00 : f32
      %broadcast_in_dim3A_79 = vector.broadcast %broadcast_in_dim3A_78 : f32 to vector<8x128xf32>
      %swap3A_80 = arith.constant 0 : index
      %swap3A_81 = arith.constant 0 : index
      %swap3A_82 = vector.load %arg11[%swap3A_80, %swap3A_81] : memref<8x128xf32, #tpu.memory_space<vmem>>, vector<8x128xf32>
      tpu.vector_store %arg11[%swap3A_80, %swap3A_81], %broadcast_in_dim3A_79 {strides = array<i32>} : memref<8x128xf32, #tpu.memory_space<vmem>>, vector<8x128xf32>,
    } else {
    }
    %get3A_69 = arith.constant 0 : index
    %get3A_70 = arith.constant 0 : index
    %get3A_71 = vector.load %arg11[%get3A_69, %get3A_70] : memref<8x128xf32, #tpu.memory_space<vmem>>, vector<8x128xf32>
    %broadcast_in_dim3A_72 = vector.shape_cast %broadcast_in_dim3A_66 : vector<1x128xf32> to vector<1x128xf32>
    %broadcast_in_dim3A_73 = vector.broadcast %broadcast_in_dim3A_72 : vector<1x128xf32> to vector<8x128xf32>
    %add3A_74 = arith.addf %get3A_71, %broadcast_in_dim3A_73 : vector<8x128xf32>
    %swap3A_75 = arith.constant 0 : index
    %swap3A_76 = arith.constant 0 : index
    %swap3A_77 = vector.load %arg11[%swap3A_75, %swap3A_76] : memref<8x128xf32, #tpu.memory_space<vmem>>, vector<8x128xf32>
    tpu.vector_store %arg11[%swap3A_75, %swap3A_76], %add3A_74 {strides = array<i32>} : memref<8x128xf32, #tpu.memory_space<vmem>>, vector<8x128xf32>,
    return
  }
  func.func @transform_0(%arg0: i32) -> (i32, i32, i32) {
    %add3A = arith.constant 1750 : i32
    %add3A_0 = arith.addi %add3A, %arg0 : i32
    %c0_i32 = arith.constant 0 : i32
    %c0_i32_1 = arith.constant 0 : i32
    %c0_i32_2 = arith.constant 0 : i32
    return %add3A_0, %c0_i32, %c0_i32_1 : i32, i32, i32
  }
  func.func @transform_1(%arg0: i32) -> (i32, i32, i32) {
    %add3A = arith.constant 1875 : i32
    %add3A_0 = arith.addi %add3A, %arg0 : i32
    %c0_i32 = arith.constant 0 : i32
    %c0_i32_1 = arith.constant 0 : i32
    %c0_i32_2 = arith.constant 0 : i32
    return %add3A_0, %c0_i32, %c0_i32_1 : i32, i32, i32
  }
  func.func @transform_2(%arg0: i32) -> (i32, i32, i32) {
    %add3A = arith.constant 2000 : i32
    %add3A_0 = arith.addi %add3A, %arg0 : i32
    %c0_i32 = arith.constant 0 : i32
    %c0_i32_1 = arith.constant 0 : i32
    %c0_i32_2 = arith.constant 0 : i32
    return %add3A_0, %c0_i32, %c0_i32_1 : i32, i32, i32
  }
  func.func @transform_3(%arg0: i32) -> (i32, i32, i32) {
    %add3A = arith.constant 2125 : i32
    %add3A_0 = arith.addi %add3A, %arg0 : i32
    %c0_i32 = arith.constant 0 : i32
    %c0_i32_1 = arith.constant 0 : i32
    %c0_i32_2 = arith.constant 0 : i32
    return %add3A_0, %c0_i32, %c0_i32_1 : i32, i32, i32
  }
  func.func @transform_4(%arg0: i32) -> (i32, i32) {
    %c0_i32 = arith.constant 0 : i32
    %c0_i32_0 = arith.constant 0 : i32
    return %arg0, %c0_i32 : i32, i32
  }
  func.func @transform_5(%arg0: i32) -> (i32, i32) {
    %c0_i32 = arith.constant 0 : i32
    %c0_i32_0 = arith.constant 0 : i32
    %c0_i32_1 = arith.constant 0 : i32
    return %c0_i32, %c0_i32_0 : i32, i32
  }
  func.func @transform_6(%arg0: i32) -> (i32, i32) {
    %c0_i32 = arith.constant 0 : i32
    %c0_i32_0 = arith.constant 0 : i32
    %c0_i32_1 = arith.constant 0 : i32
    return %c0_i32, %c0_i32_0 : i32, i32
  }
  func.func @transform_7(%arg0: i32) -> (i32, i32) {
    %c0_i32 = arith.constant 0 : i32
    %c0_i32_0 = arith.constant 0 : i32
    %c0_i32_1 = arith.constant 0 : i32
    return %c0_i32, %c0_i32_0 : i32, i32
  }
  func.func @transform_8(%arg0: i32) -> (i32, i32) {
    %c0_i32 = arith.constant 0 : i32
    %c0_i32_0 = arith.constant 0 : i32
    %c0_i32_1 = arith.constant 0 : i32
    return %c0_i32, %c0_i32_0 : i32, i32
  }
  func.func @transform_9(%arg0: i32) -> (i32, i32) {
    %c0_i32 = arith.constant 0 : i32
    %c0_i32_0 = arith.constant 0 : i32
    return %arg0, %c0_i32 : i32, i32
  }
  func.func @transform_10(%arg0: i32) -> (i32, i32) {
    %c0_i32 = arith.constant 0 : i32
    %c0_i32_0 = arith.constant 0 : i32
    %c0_i32_1 = arith.constant 0 : i32
    return %c0_i32, %c0_i32_0 : i32, i32
  }
}

module attributes {stable_mosaic.version = 14 : i64} {
  func.func @_combine_body(%arg0: i32, %arg1: memref<80x128xf32, #tpu.memory_space<vmem>>, %arg2: memref<80x128xf32, #tpu.memory_space<vmem>>, %arg3: memref<80x128xf32, #tpu.memory_space<vmem>>, %arg4: memref<80x128xf32, #tpu.memory_space<vmem>>, %arg5: memref<80x128xf32, #tpu.memory_space<vmem>>, %arg6: memref<80x128xf32, #tpu.memory_space<vmem>>, %arg7: memref<8x128xf32, #tpu.memory_space<vmem>>, %arg8: memref<80x128xf32, #tpu.memory_space<vmem>>, %arg9: memref<80x128xf32, #tpu.memory_space<vmem>>, %arg10: memref<80x128xf32, #tpu.memory_space<vmem>>) attributes {dimension_semantics = [#tpu.dimension_semantics<arbitrary>], iteration_bounds = array<i64: 125>, scalar_prefetch = 0 : i64, scratch_operands = 0 : i64, tpu.core_type = #tpu.core_type<tc>, window_params = [{transform_indices = @transform_0, window_bounds = array<i64: 80, 128>}, {transform_indices = @transform_1, window_bounds = array<i64: 80, 128>}, {transform_indices = @transform_2, window_bounds = array<i64: 80, 128>}, {transform_indices = @transform_3, window_bounds = array<i64: 80, 128>}, {transform_indices = @transform_4, window_bounds = array<i64: 80, 128>}, {transform_indices = @transform_5, window_bounds = array<i64: 80, 128>}, {pipeline_mode = #tpu.pipeline_mode<synchronous>, transform_indices = @transform_6, window_bounds = array<i64: 8, 128>}, {transform_indices = @transform_7, window_bounds = array<i64: 80, 128>}, {transform_indices = @transform_8, window_bounds = array<i64: 80, 128>}, {transform_indices = @transform_9, window_bounds = array<i64: 80, 128>}]} {
    %get3A = arith.constant 0 : index
    %get3A_0 = arith.constant 0 : index
    %get3A_1 = vector.load %arg7[%get3A, %get3A_0] : memref<8x128xf32, #tpu.memory_space<vmem>>, vector<8x128xf32>
    %get3A_2 = arith.constant 0 : index
    %get3A_3 = arith.constant 0 : index
    %get3A_4 = vector.load %arg1[%get3A_2, %get3A_3] : memref<80x128xf32, #tpu.memory_space<vmem>>, vector<80x128xf32>
    %slice3A = vector.extract_strided_slice %get3A_1 {offsets = [0, 0], sizes = [1, 128], strides = [1, 1]} : vector<8x128xf32> to vector<1x128xf32>
    %mul3A = vector.broadcast %slice3A : vector<1x128xf32> to vector<80x128xf32>
    %mul3A_5 = arith.mulf %get3A_4, %mul3A : vector<80x128xf32>
    %get3A_6 = arith.constant 0 : index
    %get3A_7 = arith.constant 0 : index
    %get3A_8 = vector.load %arg2[%get3A_6, %get3A_7] : memref<80x128xf32, #tpu.memory_space<vmem>>, vector<80x128xf32>
    %slice3A_9 = vector.extract_strided_slice %get3A_1 {offsets = [1, 0], sizes = [1, 128], strides = [1, 1]} : vector<8x128xf32> to vector<1x128xf32>
    %mul3A_10 = vector.broadcast %slice3A_9 : vector<1x128xf32> to vector<80x128xf32>
    %mul3A_11 = arith.mulf %get3A_8, %mul3A_10 : vector<80x128xf32>
    %add3A = arith.addf %mul3A_5, %mul3A_11 : vector<80x128xf32>
    %swap3A = arith.constant 0 : index
    %swap3A_12 = arith.constant 0 : index
    %swap3A_13 = vector.load %arg8[%swap3A, %swap3A_12] : memref<80x128xf32, #tpu.memory_space<vmem>>, vector<80x128xf32>
    tpu.vector_store %arg8[%swap3A, %swap3A_12], %add3A {strides = array<i32>} : memref<80x128xf32, #tpu.memory_space<vmem>>, vector<80x128xf32>,
    %get3A_14 = arith.constant 0 : index
    %get3A_15 = arith.constant 0 : index
    %get3A_16 = vector.load %arg3[%get3A_14, %get3A_15] : memref<80x128xf32, #tpu.memory_space<vmem>>, vector<80x128xf32>
    %slice3A_17 = vector.extract_strided_slice %get3A_1 {offsets = [2, 0], sizes = [1, 128], strides = [1, 1]} : vector<8x128xf32> to vector<1x128xf32>
    %mul3A_18 = vector.broadcast %slice3A_17 : vector<1x128xf32> to vector<80x128xf32>
    %mul3A_19 = arith.mulf %get3A_16, %mul3A_18 : vector<80x128xf32>
    %get3A_20 = arith.constant 0 : index
    %get3A_21 = arith.constant 0 : index
    %get3A_22 = vector.load %arg4[%get3A_20, %get3A_21] : memref<80x128xf32, #tpu.memory_space<vmem>>, vector<80x128xf32>
    %slice3A_23 = vector.extract_strided_slice %get3A_1 {offsets = [3, 0], sizes = [1, 128], strides = [1, 1]} : vector<8x128xf32> to vector<1x128xf32>
    %mul3A_24 = vector.broadcast %slice3A_23 : vector<1x128xf32> to vector<80x128xf32>
    %mul3A_25 = arith.mulf %get3A_22, %mul3A_24 : vector<80x128xf32>
    %add3A_26 = arith.addf %mul3A_19, %mul3A_25 : vector<80x128xf32>
    %get3A_27 = arith.constant 0 : index
    %get3A_28 = arith.constant 0 : index
    %get3A_29 = vector.load %arg5[%get3A_27, %get3A_28] : memref<80x128xf32, #tpu.memory_space<vmem>>, vector<80x128xf32>
    %slice3A_30 = vector.extract_strided_slice %get3A_1 {offsets = [4, 0], sizes = [1, 128], strides = [1, 1]} : vector<8x128xf32> to vector<1x128xf32>
    %mul3A_31 = vector.broadcast %slice3A_30 : vector<1x128xf32> to vector<80x128xf32>
    %mul3A_32 = arith.mulf %get3A_29, %mul3A_31 : vector<80x128xf32>
    %add3A_33 = arith.addf %add3A_26, %mul3A_32 : vector<80x128xf32>
    %swap3A_34 = arith.constant 0 : index
    %swap3A_35 = arith.constant 0 : index
    %swap3A_36 = vector.load %arg9[%swap3A_34, %swap3A_35] : memref<80x128xf32, #tpu.memory_space<vmem>>, vector<80x128xf32>
    tpu.vector_store %arg9[%swap3A_34, %swap3A_35], %add3A_33 {strides = array<i32>} : memref<80x128xf32, #tpu.memory_space<vmem>>, vector<80x128xf32>,
    %get3A_37 = arith.constant 0 : index
    %get3A_38 = arith.constant 0 : index
    %get3A_39 = vector.load %arg6[%get3A_37, %get3A_38] : memref<80x128xf32, #tpu.memory_space<vmem>>, vector<80x128xf32>
    %slice3A_40 = vector.extract_strided_slice %get3A_1 {offsets = [5, 0], sizes = [1, 128], strides = [1, 1]} : vector<8x128xf32> to vector<1x128xf32>
    %mul3A_41 = vector.broadcast %slice3A_40 : vector<1x128xf32> to vector<80x128xf32>
    %mul3A_42 = arith.mulf %get3A_39, %mul3A_41 : vector<80x128xf32>
    %swap3A_43 = arith.constant 0 : index
    %swap3A_44 = arith.constant 0 : index
    %swap3A_45 = vector.load %arg10[%swap3A_43, %swap3A_44] : memref<80x128xf32, #tpu.memory_space<vmem>>, vector<80x128xf32>
    tpu.vector_store %arg10[%swap3A_43, %swap3A_44], %mul3A_42 {strides = array<i32>} : memref<80x128xf32, #tpu.memory_space<vmem>>, vector<80x128xf32>,
    return
  }
  func.func @transform_0(%arg0: i32) -> (i32, i32) {
    %c0_i32 = arith.constant 0 : i32
    %c0_i32_0 = arith.constant 0 : i32
    return %arg0, %c0_i32 : i32, i32
  }
  func.func @transform_1(%arg0: i32) -> (i32, i32) {
    %c0_i32 = arith.constant 0 : i32
    %c0_i32_0 = arith.constant 0 : i32
    return %arg0, %c0_i32 : i32, i32
  }
  func.func @transform_2(%arg0: i32) -> (i32, i32) {
    %c0_i32 = arith.constant 0 : i32
    %c0_i32_0 = arith.constant 0 : i32
    return %arg0, %c0_i32 : i32, i32
  }
  func.func @transform_3(%arg0: i32) -> (i32, i32) {
    %c0_i32 = arith.constant 0 : i32
    %c0_i32_0 = arith.constant 0 : i32
    return %arg0, %c0_i32 : i32, i32
  }
  func.func @transform_4(%arg0: i32) -> (i32, i32) {
    %c0_i32 = arith.constant 0 : i32
    %c0_i32_0 = arith.constant 0 : i32
    return %arg0, %c0_i32 : i32, i32
  }
  func.func @transform_5(%arg0: i32) -> (i32, i32) {
    %c0_i32 = arith.constant 0 : i32
    %c0_i32_0 = arith.constant 0 : i32
    return %arg0, %c0_i32 : i32, i32
  }
  func.func @transform_6(%arg0: i32) -> (i32, i32) {
    %c0_i32 = arith.constant 0 : i32
    %c0_i32_0 = arith.constant 0 : i32
    %c0_i32_1 = arith.constant 0 : i32
    return %c0_i32, %c0_i32_0 : i32, i32
  }
  func.func @transform_7(%arg0: i32) -> (i32, i32) {
    %c0_i32 = arith.constant 0 : i32
    %c0_i32_0 = arith.constant 0 : i32
    return %arg0, %c0_i32 : i32, i32
  }
  func.func @transform_8(%arg0: i32) -> (i32, i32) {
    %c0_i32 = arith.constant 0 : i32
    %c0_i32_0 = arith.constant 0 : i32
    return %arg0, %c0_i32 : i32, i32
  }
  func.func @transform_9(%arg0: i32) -> (i32, i32) {
    %c0_i32 = arith.constant 0 : i32
    %c0_i32_0 = arith.constant 0 : i32
    return %arg0, %c0_i32 : i32, i32
  }
}

</mosaic_0001>

<sc_bundles>
// kernel: kernel.10.cloned.1.call-start
scs
__scs_entry_jumppad:
0x0: {  	(pc) =	sbr.rel $0x88, $3  }
0x1: {  	(tag) =	ssettag $0x0;
	lr =	simm.s32 $0x1  }
0x2: {  	[smem:$0x3F83] =	sst lr;
	_ =	strace $0xD0000000  }
0x3: {  	_ = 	snop  }
0x4: {  	_ = 	snop  }
0x5: {  	_ = 	snop  }
0x6: {  	_ = 	snop  }
0x7: {  	_ = 	snop  }
__scs_overlays_trampoline_lowered:
0x8: {  	[smem:$0x3F92] =	sst s0  }
0x9: {  	[smem:$0x3F93] =	sst s1  }
0xa: {  	[smem:$0x3F94] =	sst s2  }
0xb: {  	[smem:$0x3F95] =	sst s3  }
0xc: {  	[smem:$0x3F96] =	sst s4  }
0xd: {  	[smem:$0x3F97] =	sst s5  }
0xe: {  	[smem:$0x3F98] =	sst s6  }
0xf: {  	[smem:$0x3F99] =	sst s7  }
0x10: {  	[smem:$0x3F9A] =	sst s8  }
0x11: {  	[smem:$0x3F9B] =	sst s9;
	s0 =	simm.s32 @!p0 $0x0  }
0x12: {  	s1 =	sld [smem:$0x3F81];
	s0 =	simm.s32 @p0 $0x1  }
0x13: {  	[smem:$0x3F9C] =	sst s0;
	s0 =	simm.s32 @!p1 $0x0  }
0x14: {  	s2 =	sld [smem:$0x3F80];
	s0 =	simm.s32 @p1 $0x1  }
0x15: {  	[smem:$0x3F9D] =	sst s0;
	s0 =	simm.s32 @!p2 $0x0  }
0x16: {  	s3 =	sld [smem:$0x3FDB];
	s0 =	simm.s32 @p2 $0x1  }
0x17: {  	s4 =	simm.s32 $0x1BF5;
	[smem:$0x3F9F] =	sst s0  }
0x18: {  	s0 =	sld [smem:$0x3F82];
	_ =	swait.ge [sflag:s4], $0x0  }
0x19: {  	s7 =	sld [smem:$0x3F83]  }
0x1a: {  	s8 =	sadd.s32 $0xFFFFE003, lr  }
0x1b: {  	s9 =	sadd.s32 $0xFFFFFEF7, lr;
	s5 =	simm.s32 $0xFFFFFFFF;
	p2 =	slt.u32 s8, $0xFFFFF086  }
0x1c: {  	p1 =	slt.u32 s9, $0xF7A;
	s5 =	simm.s32 @!p2 $0x0  }
0x1d: {  	s5 =	simm.s32 @p1 $0x1;
	p0 =	seq.s32 s7, s2  }
0x1e: {  	s7 =	smul.u32 @!p0 $0xF7A, s2;
	p2 =	seq.s32 @!p0 s5, $0x0  }
0x1f: {  	s9 =	smul.u32 $0xF7A, s1;
	s8 =	simm.s32 @!p0 $0x1BF5;
	p2 =	por !p2, p0  }
0x20: {  	[sflag:s8] =	ssyncset.s32 @!p0 $0xFFFFF086;
	s6 =	sadd.s32 @!p0 s3, s7;
	s7 =	simm.s32 @!p0 $0x108  }
0x21: {  	s3 =	sadd.s32 s3, s9;
	s6 =	sadd.s32 @!p0 $0x88, s6;
	s7 =	simm.s32 @p2 $0x1082  }
0x22: {  	[simem:s7], [sflag:s8] =	dma.local @!p0 [hbm:s6], $0xF7A  }
0x23: {  	s9 =	sor.u32 $0xD0000000, s2;
	s6 =	simm.s32 $0x108;
	_ =	swait.ge @!p0 [sflag:s8], $0x0  }
0x24: {  	s3 =	sadd.s32 $0x88, s3;
	s6 =	simm.s32 @!p1 $0x1082;
	[sflag:s4] =	ssyncset.s32 $0xFFFFF086  }
0x25: {  	[simem:s6], [sflag:s4] =	dma.local [hbm:s3], $0xF7A  }
0x26: {  	[smem:$0x3F83] =	sst s1;
	(tag) =	ssettag s2;
	_ =	strace s9  }
0x27: {  	s1 =	sld [smem:$0x3F93]  }
0x28: {  	s2 =	sld [smem:$0x3F94]  }
0x29: {  	s4 =	sld [smem:$0x3F96]  }
0x2a: {  	p0 =	seq.s32 s5, $0x0;
	s5 =	sld [smem:$0x3F97]  }
0x2b: {  	s6 =	sld [smem:$0x3F98]  }
0x2c: {  	s7 =	sld [smem:$0x3F99]  }
0x2d: {  	s3 =	simm.s32 $0x108;
	s8 =	sld [smem:$0x3F9A]  }
0x2e: {  	s3 =	simm.s32 @!p0 $0x1082;
	s9 =	sld [smem:$0x3F9B]  }
0x2f: {  	lr =	sadd.s32 s0, s3;
	s0 =	sld [smem:$0x3F92]  }
0x30: {  	s3 =	sld [smem:$0x3F95]  }
0x31: {  	[smem:$0x3F9E] =	sst s10  }
0x32: {  	s10 =	sld [smem:$0x3F9C];
	_ =	sdelay $0x3  }
0x33: {  	p0 =	seq.s32 s10, $0x1;
	s10 =	sld [smem:$0x3F9E];
	_ =	sdelay $0x3  }
0x34: {  	[smem:$0x3F9E] =	sst s10  }
0x35: {  	s10 =	sld [smem:$0x3F9D];
	_ =	sdelay $0x3  }
0x36: {  	p1 =	seq.s32 s10, $0x1;
	s10 =	sld [smem:$0x3F9E];
	_ =	sdelay $0x3  }
0x37: {  	[smem:$0x3F9E] =	sst s10  }
0x38: {  	s10 =	sld [smem:$0x3F9F]  }
0x39: {  	_ = 	snop;
	(pc) =	sbr.ind lr, $3  }
0x3a: {  	_ = 	snop  }
0x3b: {  	_ = 	snop  }
0x3c: {  	p2 =	seq.s32 s10, $0x1;
	s10 =	sld [smem:$0x3F9E]  }
0x3d: {  	_ =	shalt  }
0x3e: {  	_ =	shalt  }
0x3f: {  	_ =	shalt  }
0x40: {  	_ =	shalt  }
0x41: {  	_ =	shalt  }
0x42: {  	_ =	shalt  }
0x43: {  	_ =	shalt  }
0x44: {  	_ =	shalt  }
0x45: {  	_ =	shalt  }
0x46: {  	_ =	shalt  }
0x47: {  	_ =	shalt  }
0x48: {  	_ =	shalt  }
0x49: {  	_ =	shalt  }
0x4a: {  	_ =	shalt  }
0x4b: {  	_ =	shalt  }
0x4c: {  	_ =	shalt  }
0x4d: {  	_ =	shalt  }
0x4e: {  	_ =	shalt  }
0x4f: {  	_ =	shalt  }
0x50: {  	_ =	shalt  }
0x51: {  	_ =	shalt  }
0x52: {  	_ =	shalt  }
0x53: {  	_ =	shalt  }
0x54: {  	_ =	shalt  }
0x55: {  	_ =	shalt  }
0x56: {  	_ =	shalt  }
0x57: {  	_ =	shalt  }
0x58: {  	_ =	shalt  }
0x59: {  	_ =	shalt  }
0x5a: {  	_ =	shalt  }
0x5b: {  	_ =	shalt  }
0x5c: {  	_ =	shalt  }
0x5d: {  	_ =	shalt  }
0x5e: {  	_ =	shalt  }
0x5f: {  	_ =	shalt  }
0x60: {  	_ =	shalt  }
0x61: {  	_ =	shalt  }
0x62: {  	_ =	shalt  }
0x63: {  	_ =	shalt  }
0x64: {  	_ =	shalt  }
0x65: {  	_ =	shalt  }
0x66: {  	_ =	shalt  }
0x67: {  	_ =	shalt  }
0x68: {  	_ =	shalt  }
0x69: {  	_ =	shalt  }
0x6a: {  	_ =	shalt  }
0x6b: {  	_ =	shalt  }
0x6c: {  	_ =	shalt  }
0x6d: {  	_ =	shalt  }
0x6e: {  	_ =	shalt  }
0x6f: {  	_ =	shalt  }
0x70: {  	_ =	shalt  }
0x71: {  	_ =	shalt  }
0x72: {  	_ =	shalt  }
0x73: {  	_ =	shalt  }
0x74: {  	_ =	shalt  }
0x75: {  	_ =	shalt  }
0x76: {  	_ =	shalt  }
0x77: {  	_ =	shalt  }
0x78: {  	_ =	shalt  }
0x79: {  	_ =	shalt  }
0x7a: {  	_ =	shalt  }
0x7b: {  	_ =	shalt  }
0x7c: {  	_ =	shalt  }
0x7d: {  	_ =	shalt  }
0x7e: {  	_ =	shalt  }
0x7f: {  	_ =	shalt  }
0x80: {  	_ =	shalt  }
0x81: {  	_ =	shalt  }
0x82: {  	_ =	shalt  }
0x83: {  	_ =	shalt  }
0x84: {  	_ =	shalt  }
0x85: {  	_ =	shalt  }
0x86: {  	_ =	shalt  }
0x87: {  	_ =	shalt  }
.Lfunc_end0:
.L_simem_size_0:
called_computation_lowered:
.L_overlay_start_0:
0x88: {  	s2 =	sld [smem:$0x3FD9]  }
0x89: {  	s3 =	sld [smem:$0x3FFE];
	_ =	sdelay $0x1  }
0x8a: {  	s1 =	srdreg.scid  }
0x8b: {  	s0 =	sand.u32 $0x1, s1  }
0x8c: {  	s16 =	sshll.u32 s0, $0xA;
	s2 =	sadd.s32 s3, s2  }
0x8d: {  	s2 =	sadd.s32 s2, s16  }
0x8e: {  	[smem:$0x3FAA] =	sst s2  }
0x8f: {  	_ = 	snop  }
0x90: {  	(tm) =	ssettm $0x1  }
0x91: {  	s17 =	sld [smem:$0x3FFB];
	_ =	sdelay $0x3  }
0x92: {  	_ =	strace s17  }
0x93: {  	s2 =	sld [smem:$0x3FFC];
	_ =	sdelay $0x3  }
0x94: {  	_ =	strace s2  }
0x95: {  	s2 =	sld [smem:$0x3FFD];
	_ =	sdelay $0x3  }
0x96: {  	_ =	strace s2  }
0x97: {  	_ =	strace $0x8FFFFFFF  }
0x98: {  	s18 =	sld [smem:$0x3FDB];
	_ =	sdelay $0x1  }
0x99: {  	s19 =	simm.s32 $_scs_section_size  }
0x9a: {  	s4 =	simm.s32 $_size__tile_overlayer_lowered;
	s5 =	simm.s32 $_tile_overlayer_lowered  }
0x9b: {  	s22 =	simm.s32 $0x1BFF;
	s21 =	sshll.u32 s5, $0x1;
	s2 =	sadd.s32 s19, s18  }
0x9c: {  	s6 =	simm.s32 $0x0;
	s20 =	sshll.u32 s4, $0x1;
	s4 =	sadd.s32 s21, s2  }
0x9d: {  	[timem:s6], [sflag:s22] =	dma.local [hbm:s4], s20  }
0x9e: {  	_ =	swait.ge [sflag:s22], s20  }
0x9f: {  	s3 =	ssub.s32 $0x0, s20;
	[sflag:s22] =	ssyncset.done $0x0  }
0xa0: {  	[sflag:s22] =	ssyncadd.s32 s3;
	_ =	sdelay $0x1  }
0xa1: {  	s23 =	simm.s32 $0x1B8B  }
0xa2: {  	_ =	swait.ge [sflag:s23], $0x1  }
0xa3: {  	[sflag:s23] =	ssyncset.done $0x0  }
0xa4: {  	s25 =	simm.s32 $0x1B8E;
	s24 =	sld [smem:$0x3FFE];
	[sflag:s23] =	ssyncadd.s32 $0xFFFFFFFF  }
0xa5: {  	s26 =	simm.s32 $execute0_lowered;
	[smem:$0x3FD2] =	sst s25  }
0xa6: {  	s4 =	sshll.u32 s26, $0x1;
	_ =	strace $0x80000046;
	[dreg:$0x1] =	wrdreg $0xFFFFFFFF  }
0xa7: {  	s28 =	simm.s32 $_size_execute0_lowered;
	s2 =	sadd.s32 s2, s4;
	[dreg:$0x0] =	wrdreg $0x0  }
0xa8: {  	s4 =	sshll.u32 s28, $0x1;
	[dreg:$0x2] =	wrdreg s2  }
0xa9: {  	[dreg:$0x3] =	wrdreg s4  }
0xaa: {  	[dreg:$0x4] =	wrdreg $0xC0  }
0xab: {  	_ =	task [dreg:s6], $0x5FFFF  }
0xac: {  	[dreg:$0x1] =	wrdreg $0xFFFFFFFF  }
0xad: {  	[dreg:$0x0] =	wrdreg $0x60  }
0xae: {  	[dreg:$0x2] =	wrdreg s24  }
0xaf: {  	[dreg:$0x3] =	wrdreg $0x9  }
0xb0: {  	_ =	task.clear_ibuf [dreg:s6], $0x4FFFF;
	_ =	strace $0x90000046  }
0xb1: {  	s29 =	simm.s32 $0x9;
	_ =	strace $0x80000048  }
0xb2: {  	_ =	swait.ge [sflag:s29], $0x1  }
0xb3: {  	[sflag:s29] =	ssyncadd.s32 $0xFFFFFFFF  }
0xb4: {  	_ =	strace $0x90000048  }
0xb5: {  	_ =	sfence  }
0xb6: {  	s30 =	sld [smem:$0x0];
	_ =	sdelay $0x2  }
0xb7: {  	s31 =	sshll.u32 s1, $0xD;
	s1 =	sshrl.u32 s1, $0x2  }
0xb8: {  	s3 =	sand.u32 $0x4000, s31;
	s1 =	sadd.s32 s1, s30  }
0xb9: {  	s0 =	sor.u32 s3, s0;
	s1 =	sshll.u32 s1, $0x11  }
0xba: {  	s0 =	sor.u32 s1, s0  }
0xbb: {  	s0 =	sadd.s32 $0x8F2B, s0  }
0xbc: {  	[sflag:s0] =	ssyncadd.remote.s32 $0x1  }
0xbd: {  	_ =	sfence.sel $0xFFFF  }
0xbe: {  	[dreg:$0x0] =	wrdreg $0xFFFFFFFF;
	(pc) =	sbr.abs _section_cstart, $3  }
0xbf: {  	[dreg:$0x1] =	wrdreg $0xFFFFFFFF  }
0xc0: {  	_ =	task.clear_ibuf [dreg:s6], $0x2FFFF;
	_ =	strace $0x9FFFFFFF  }
0xc1: {  	(tm) =	ssettm $0x7FFFFFFF  }
tec
execute0_lowered:
.L_overlay_start_1:
0x0: {  	(tag) =	ssettag $0x1  }
0x1: {  	s4 =	rddreg [dreg:$0x0]  }
0x2: {  	s0 =	rddreg [dreg:$0x1];
	s2 =	simm.s32 $0x0;
	s3 =	srdreg.scid  }
0x3: {  	s1 =	stileid.u32;
	s10 =	simm.s32 $0x4280;
	s11 =	simm.s32 $0x100  }
0x4: {  	s12 =	simm.s32 $0x8280;
	s13 =	simm.s32 $0x180;
	s14 =	simm.s32 $0xC280  }
0x5: {  	s15 =	simm.s32 $0x200;
	s16 =	simm.s32 $0x10280;
	s17 =	simm.s32 $0x1  }
0x6: {  	s18 =	simm.s32 $0x2;
	s19 =	simm.s32 $0x0;
	s6 =	smul.u32 $0x46500, s1  }
0x7: {  	[smem:$0x7FF] =	sst s2;
	s5 =	sand.u32 $0x1, s3;
	s8 =	smul.u32 $0x465000, s1  }
0x8: {  	s3 =	sadd.s32 $0x2E800, s4;
	s7 =	smul.u32 $0x23280, s5;
	s9 =	ssub.s32 $0x2, s5  }
0x9: {  	_ =	strace $0x80000047;
	s5 =	smul.u32 $0x232800, s5;
	s31 =	sshrl.u32 s9, $0x1  }
0xa: {  	s8 =	sadd.s32 s8, s4;
	s6 =	sadd.s32 s7, s6;
	s7 =	ssub.s32 s9, s31  }
0xb: {  	s5 =	sadd.s32 s5, s8;
	s8 =	simm.s32 $0x80;
	s6 =	sshrl.u32 s6, $0x3  }
0xc: {  	s9 =	simm.s32 $0x280;
	s5 =	sadd.s32 $0x130600, s5;
	s6 =	sadd.s32 s6, s4  }
0xd: {  	s4 =	smax.u32 s7, $0x1;
	s7 =	simm.s32 $0x3;
	s6 =	sadd.s32 $0xA3C00, s6  }
.LBB2_1:
0xe: {  	[tilespmem:s2], [sflag:$0x3] =	stream.linear.gather [hbm4b:s6+s2], $0x280, $0x38;
	[tilespmem:$0x14280] =	vst v63  }
0xf: {  	_ =	swait.ge [sflag:s7], $0x280  }
0x10: {  	p0 =	por $0x1, $0x1;
	[sflag:s7] =	ssyncset.done $0x0  }
0x11: {  	s20 =	simm.s32 @!p0 $0x2;
	[sflag:s7] =	ssyncadd.s32 $0xFFFFFD80  }
0x12: {  	_ =	swait.ge @!p0 [sflag:s20], $0x4000  }
0x13: {  	[sflag:s20] =	ssyncset.done @!p0 $0x0  }
0x14: {  	[sflag:s20] =	ssyncadd.s32 @!p0 $0xFFFFC000  }
0x15: {  	_ =	swait.ge @!p0 [sflag:s20], $0x4000  }
0x16: {  	[sflag:s20] =	ssyncset.done @!p0 $0x0  }
0x17: {  	[sflag:s20] =	ssyncadd.s32 @!p0 $0xFFFFC000  }
0x18: {  	_ =	swait.ge @!p0 [sflag:s20], $0x4000  }
0x19: {  	[sflag:s20] =	ssyncset.done @!p0 $0x0  }
0x1a: {  	[sflag:s20] =	ssyncadd.s32 @!p0 $0xFFFFC000  }
0x1b: {  	_ =	swait.ge @!p0 [sflag:s20], $0x4000  }
0x1c: {  	[sflag:s20] =	ssyncset.done @!p0 $0x0  }
0x1d: {  	[sflag:s20] =	ssyncadd.s32 @!p0 $0xFFFFC000  }
0x1e: {  	_ =	swait.ge @!p0 [sflag:s20], $0x4000  }
0x1f: {  	[sflag:s20] =	ssyncset.done @!p0 $0x0  }
0x20: {  	[sflag:s20] =	ssyncadd.s32 @!p0 $0xFFFFC000  }
0x21: {  	[tilespmem:s9], [sflag:$0x1] =	stream.indirect.gather [hbm4b:s3+s8], $0x80, s2, s8, $0xb8;
	[tilespmem:$0x14280] =	vst v63  }
0x22: {  	_ = 	snop  }
0x23: {  	[tilespmem:s10], [sflag:$0x1] =	stream.indirect.gather [hbm4b:s3+s8], $0x80, s8, s8, $0xb8;
	[tilespmem:$0x14280] =	vst v63  }
0x24: {  	_ = 	snop  }
0x25: {  	[tilespmem:s12], [sflag:$0x1] =	stream.indirect.gather [hbm4b:s3+s8], $0x80, s11, s8, $0xb8;
	[tilespmem:$0x14280] =	vst v63  }
0x26: {  	_ = 	snop  }
0x27: {  	[tilespmem:s14], [sflag:$0x1] =	stream.indirect.gather [hbm4b:s3+s8], $0x80, s13, s8, $0xb8;
	[tilespmem:$0x14280] =	vst v63  }
0x28: {  	_ = 	snop  }
0x29: {  	[tilespmem:s16], [sflag:$0x1] =	stream.indirect.gather [hbm4b:s3+s8], $0x80, s15, s8, $0xb8;
	[tilespmem:$0x14280] =	vst v63  }
0x2a: {  	_ =	swait.ge [sflag:s17], $0x4000  }
0x2b: {  	[sflag:s17] =	ssyncset.done $0x0  }
0x2c: {  	s21 =	sadd.s32 $0x0, s5;
	[sflag:s17] =	ssyncadd.s32 $0xFFFFC000  }
0x2d: {  	[hbm4b:s21+s2] =	stream.linear.scatter [tilespmem:s9], [sflag:$0x2], $0x4000, $0x38;
	[tilespmem:$0x14280] =	vst v63  }
0x2e: {  	_ =	swait.ge [sflag:s17], $0x4000  }
0x2f: {  	[sflag:s17] =	ssyncset.done $0x0  }
0x30: {  	s29 =	sadd.s32 $0x800, s21;
	[sflag:s17] =	ssyncadd.s32 $0xFFFFC000  }
0x31: {  	[hbm4b:s29+s2] =	stream.linear.scatter [tilespmem:s10], [sflag:$0x2], $0x4000, $0x38;
	[tilespmem:$0x14280] =	vst v63  }
0x32: {  	_ =	swait.ge [sflag:s17], $0x4000  }
0x33: {  	[sflag:s17] =	ssyncset.done $0x0  }
0x34: {  	s30 =	sadd.s32 $0x1000, s21;
	[sflag:s17] =	ssyncadd.s32 $0xFFFFC000  }
0x35: {  	[hbm4b:s30+s2] =	stream.linear.scatter [tilespmem:s12], [sflag:$0x2], $0x4000, $0x38;
	[tilespmem:$0x14280] =	vst v63  }
0x36: {  	_ =	swait.ge [sflag:s17], $0x4000  }
0x37: {  	[sflag:s17] =	ssyncset.done $0x0  }
0x38: {  	s31 =	sadd.s32 $0x1800, s21;
	[sflag:s17] =	ssyncadd.s32 $0xFFFFC000  }
0x39: {  	[hbm4b:s31+s2] =	stream.linear.scatter [tilespmem:s14], [sflag:$0x2], $0x4000, $0x38;
	[tilespmem:$0x14280] =	vst v63  }
0x3a: {  	_ =	swait.ge [sflag:s17], $0x4000  }
0x3b: {  	s22 =	sadd.s32 $0x2000, s21;
	[sflag:s17] =	ssyncset.done $0x0  }
0x3c: {  	s20 =	simm.s32 $0x2800;
	s21 =	sadd.s32 $0x50, s6;
	[sflag:s17] =	ssyncadd.s32 $0xFFFFC000  }
.LBB2_2:
0x3d: {  	[hbm4b:s22+s2] =	stream.linear.scatter [tilespmem:s16], [sflag:$0x2], $0x4000, $0x38;
	[tilespmem:$0x14280] =	vst v63  }
0x3e: {  	s22 =	smov.u32 s20;
	s20 =	sadd.s32 $0x2800, s20  }
0x3f: {  	[tilespmem:s2], [sflag:$0x3] =	stream.linear.gather [hbm4b:s21+s2], $0x280, $0x38;
	[tilespmem:$0x14280] =	vst v63  }
0x40: {  	p0 =	sne.s32 s20, $0x232800;
	_ =	swait.ge [sflag:s7], $0x280  }
0x41: {  	p1 =	seq.s32 s22, $0x0;
	[sflag:s7] =	ssyncset.done $0x0  }
0x42: {  	s23 =	simm.s32 @!p1 $0x2;
	[sflag:s7] =	ssyncadd.s32 $0xFFFFFD80  }
0x43: {  	_ =	swait.ge @!p1 [sflag:s23], $0x4000  }
0x44: {  	[sflag:s23] =	ssyncset.done @!p1 $0x0  }
0x45: {  	[sflag:s23] =	ssyncadd.s32 @!p1 $0xFFFFC000  }
0x46: {  	_ =	swait.ge @!p1 [sflag:s23], $0x4000  }
0x47: {  	[sflag:s23] =	ssyncset.done @!p1 $0x0  }
0x48: {  	[sflag:s23] =	ssyncadd.s32 @!p1 $0xFFFFC000  }
0x49: {  	_ =	swait.ge @!p1 [sflag:s23], $0x4000  }
0x4a: {  	[sflag:s23] =	ssyncset.done @!p1 $0x0  }
0x4b: {  	[sflag:s23] =	ssyncadd.s32 @!p1 $0xFFFFC000  }
0x4c: {  	_ =	swait.ge @!p1 [sflag:s23], $0x4000  }
0x4d: {  	[sflag:s23] =	ssyncset.done @!p1 $0x0  }
0x4e: {  	[sflag:s23] =	ssyncadd.s32 @!p1 $0xFFFFC000  }
0x4f: {  	_ =	swait.ge @!p1 [sflag:s23], $0x4000  }
0x50: {  	[sflag:s23] =	ssyncset.done @!p1 $0x0  }
0x51: {  	[sflag:s23] =	ssyncadd.s32 @!p1 $0xFFFFC000  }
0x52: {  	[tilespmem:s9], [sflag:$0x1] =	stream.indirect.gather [hbm4b:s3+s8], $0x80, s2, s8, $0xb8;
	[tilespmem:$0x14280] =	vst v63  }
0x53: {  	_ = 	snop  }
0x54: {  	[tilespmem:s10], [sflag:$0x1] =	stream.indirect.gather [hbm4b:s3+s8], $0x80, s8, s8, $0xb8;
	[tilespmem:$0x14280] =	vst v63  }
0x55: {  	_ = 	snop  }
0x56: {  	[tilespmem:s12], [sflag:$0x1] =	stream.indirect.gather [hbm4b:s3+s8], $0x80, s11, s8, $0xb8;
	[tilespmem:$0x14280] =	vst v63  }
0x57: {  	_ = 	snop  }
0x58: {  	[tilespmem:s14], [sflag:$0x1] =	stream.indirect.gather [hbm4b:s3+s8], $0x80, s13, s8, $0xb8;
	[tilespmem:$0x14280] =	vst v63  }
0x59: {  	_ = 	snop  }
0x5a: {  	[tilespmem:s16], [sflag:$0x1] =	stream.indirect.gather [hbm4b:s3+s8], $0x80, s15, s8, $0xb8;
	[tilespmem:$0x14280] =	vst v63  }
0x5b: {  	_ =	swait.ge [sflag:s17], $0x4000  }
0x5c: {  	[sflag:s17] =	ssyncset.done $0x0  }
0x5d: {  	s22 =	sadd.s32 s22, s5;
	[sflag:s17] =	ssyncadd.s32 $0xFFFFC000  }
0x5e: {  	[hbm4b:s22+s2] =	stream.linear.scatter [tilespmem:s9], [sflag:$0x2], $0x4000, $0x38;
	[tilespmem:$0x14280] =	vst v63  }
0x5f: {  	_ =	swait.ge [sflag:s17], $0x4000  }
0x60: {  	[sflag:s17] =	ssyncset.done $0x0  }
0x61: {  	s23 =	sadd.s32 $0x800, s22;
	[sflag:s17] =	ssyncadd.s32 $0xFFFFC000  }
0x62: {  	[hbm4b:s23+s2] =	stream.linear.scatter [tilespmem:s10], [sflag:$0x2], $0x4000, $0x38;
	[tilespmem:$0x14280] =	vst v63  }
0x63: {  	_ =	swait.ge [sflag:s17], $0x4000  }
0x64: {  	[sflag:s17] =	ssyncset.done $0x0  }
0x65: {  	s23 =	sadd.s32 $0x1000, s22;
	[sflag:s17] =	ssyncadd.s32 $0xFFFFC000  }
0x66: {  	[hbm4b:s23+s2] =	stream.linear.scatter [tilespmem:s12], [sflag:$0x2], $0x4000, $0x38;
	[tilespmem:$0x14280] =	vst v63  }
0x67: {  	_ =	swait.ge [sflag:s17], $0x4000  }
0x68: {  	[sflag:s17] =	ssyncset.done $0x0  }
.Ltmp0:
0x69: {  	s23 =	sadd.s32 $0x1800, s22;
	[sflag:s17] =	ssyncadd.s32 $0xFFFFC000;
	(pc) =	sbr.rel @p0 .LBB2_2-.Ltmp0, $4  }
0x6a: {  	[hbm4b:s23+s2] =	stream.linear.scatter [tilespmem:s14], [sflag:$0x2], $0x4000, $0x38;
	[tilespmem:$0x14280] =	vst v63  }
0x6b: {  	_ =	swait.ge [sflag:s17], $0x4000  }
0x6c: {  	[sflag:s17] =	ssyncset.done $0x0  }
0x6d: {  	s21 =	sadd.s32 $0x50, s21;
	s22 =	sadd.s32 $0x2000, s22;
	[sflag:s17] =	ssyncadd.s32 $0xFFFFC000  }
0x6e: {  	[hbm4b:s22+s2] =	stream.linear.scatter [tilespmem:s16], [sflag:$0x2], $0x4000, $0x38;
	[tilespmem:$0x14280] =	vst v63  }
0x6f: {  	_ =	swait.ge [sflag:s18], $0x4000  }
0x70: {  	[sflag:s18] =	ssyncset.done $0x0  }
0x71: {  	[sflag:s18] =	ssyncadd.s32 $0xFFFFC000  }
0x72: {  	_ =	swait.ge [sflag:s18], $0x4000  }
0x73: {  	[sflag:s18] =	ssyncset.done $0x0  }
0x74: {  	[sflag:s18] =	ssyncadd.s32 $0xFFFFC000  }
0x75: {  	_ =	swait.ge [sflag:s18], $0x4000  }
0x76: {  	[sflag:s18] =	ssyncset.done $0x0  }
0x77: {  	s19 =	sadd.s32 $0x1, s19;
	[sflag:s18] =	ssyncadd.s32 $0xFFFFC000  }
0x78: {  	p0 =	sne.s32 s19, s4;
	_ =	swait.ge [sflag:s18], $0x4000  }
.Ltmp1:
0x79: {  	[sflag:s18] =	ssyncset.done $0x0;
	(pc) =	sbr.rel @p0 .LBB2_1-.Ltmp1, $4  }
0x7a: {  	[sflag:s18] =	ssyncadd.s32 $0xFFFFC000  }
0x7b: {  	_ =	swait.ge [sflag:s18], $0x4000  }
0x7c: {  	[sflag:s18] =	ssyncset.done $0x0  }
0x7d: {  	[sflag:s18] =	ssyncadd.s32 $0xFFFFC000  }
0x7e: {  	_ =	sfence.sel $0x180000  }
0x7f: {  	[bflag:$0x0] =	sbarrier.arrive $0xFFFF  }
0x80: {  	p0 =	sne.s32 s1, $0x0;
	_ =	strace $0x90000047  }
0x81: {  	s0 =	sadd.s32 @!p0 $0x100000, s0;
	[bflag:$0x2] =	sbarrier.arrive $0xFFFF  }
0x82: {  	[sflag:s0] =	ssyncadd.tile.s32 @!p0 $0x1;
	_ =	shalt  }
.Lfunc_end2:
_tile_overlayer_lowered:
.L_overlay_start_2:
0x83: {  	(tag) =	ssettag $0x2  }
0x84: {  	s0 =	rddreg [dreg:$0x0];
	s2 =	stileid.u32  }
0x85: {  	s1 =	rddreg [dreg:$0x1];
	p0 =	sne.s32 s2, $0x0  }
0x86: {  	s3 =	rddreg [dreg:$0x2];
	[bflag:$0x3] =	sbarrier.arrive $0xFFFF;
	s2 =	simm.s32 @!p0 $0x1C03  }
0x87: {  	[timem:s3], [sflag:s2] =	dma.local @!p0 [hbm:s0], s1  }
0x88: {  	s0 =	simm.s32 @!p0 $0x3  }
0x89: {  	_ =	swait.ge @!p0 [sflag:s0], s1  }
0x8a: {  	s1 =	ssub.s32 @!p0 $0x0, s1;
	[sflag:s0] =	ssyncset.done @!p0 $0x0  }
0x8b: {  	[sflag:s0] =	ssyncadd.s32 @!p0 s1  }
0x8c: {  	[bflag:$0x3] =	sbarrier.arrive $0xFFFF  }
0x8d: {  	_ =	shalt  }

</sc_bundles>
